<compile_context>
chip_gen: v7x
topology: tpu7x:2x2x1
jax: 0.10.2.dev20260603
libtpu: 0.0.44.dev20260713+nightly
codegen_flags: <defaults>
</compile_context>

<pallas_src>
import functools

import jax
import jax.numpy as jnp
from jax import lax
from jax.experimental import pallas as pl
from jax.experimental.pallas import tpu as pltpu
from jax.experimental.pallas import tpu_sc as plsc

_NC = 2
_NS = 16


_C = 128


def _make_aggregate(N, H, E_pad, with_deg):
    NW = _NC * _NS
    NCH = E_pad // (_C * NW)
    assert NCH * _C * NW == E_pad and NCH % 2 == 0
    NP = NCH // 2
    NA = N + 8
    RP = (-(-NA // _NS) + 7) // 8 * 8
    Z_LAST = NA - (_NS - 1) * RP
    O_LAST = N - (_NS - 1) * RP
    assert Z_LAST > 0 and Z_LAST % 8 == 0 and O_LAST > 0 and O_LAST % 8 == 0

    mesh = plsc.VectorSubcoreMesh(core_axis_name="c", subcore_axis_name="s")

    out_type = [jax.ShapeDtypeStruct((_NC, N, H), jnp.float32)]
    scratch = [
        pltpu.VMEM((NCH, _C), jnp.int32),
        pltpu.VMEM((NCH, _C), jnp.int32),
        pltpu.VMEM((_C, H), jnp.float32),
        pltpu.VMEM((_C, H), jnp.float32),
        pltpu.VMEM_SHARED((NA, H), jnp.float32),
        pltpu.SemaphoreType.DMA,
        pltpu.SemaphoreType.DMA,
    ]
    if with_deg:
        out_type.append(jax.ShapeDtypeStruct((_NC, N), jnp.float32))
        scratch += [
            pltpu.VMEM((_C,), jnp.float32),
            pltpu.VMEM_SHARED((NA,), jnp.float32),
        ]

    def body(*refs):
        if with_deg:
            (m_hbm, src_hbm, dst_hbm, znh_hbm, zn_hbm,
             agg_hbm, deg_hbm, src2d, dst2d, bufa, bufb, acc, sema, semb,
             ones_v, dacc) = refs
        else:
            (m_hbm, src_hbm, dst_hbm, znh_hbm,
             agg_hbm, src2d, dst2d, bufa, bufb, acc, sema, semb) = refs
        cid = lax.axis_index("c")
        sid = lax.axis_index("s")
        wid = sid * _NC + cid

        c0 = pl.multiple_of(wid * NCH, 8)
        pltpu.sync_copy(src_hbm.at[pl.ds(c0, NCH)], src2d)
        pltpu.sync_copy(dst_hbm.at[pl.ds(c0, NCH)], dst2d)

        r0 = pl.multiple_of(sid * RP, 8)

        @pl.when(sid < _NS - 1)
        def _():
            pltpu.sync_copy(znh_hbm.at[pl.ds(r0, RP)], acc.at[pl.ds(r0, RP)])

        @pl.when(sid == _NS - 1)
        def _():
            t0 = (_NS - 1) * RP
            pltpu.sync_copy(
                znh_hbm.at[pl.ds(t0, Z_LAST)], acc.at[pl.ds(t0, Z_LAST)]
            )
        if with_deg:

            @pl.when(sid == 0)
            def _():
                pltpu.sync_copy(zn_hbm, dacc)

            for j in range(_C // 16):
                ones_v[pl.ds(j * 16, 16)] = jnp.ones((16,), jnp.float32)
        plsc.subcore_barrier()

        def gfire(i, buf, sem):
            pltpu.async_copy(m_hbm.at[src2d.at[i]], buf, sem)

        def gwait(buf, sem):
            pltpu.make_async_copy(m_hbm.at[src2d.at[0]], buf, sem).wait()

        def scat(i, buf):
            pltpu.sync_copy(buf, acc.at[dst2d.at[i]], add=True)
            if with_deg:
                pltpu.sync_copy(ones_v, dacc.at[dst2d.at[i]], add=True)

        gfire(0, bufa, sema)
        gfire(1, bufb, semb)

        def pair(p, carry):
            i = p * 2
            gwait(bufa, sema)
            scat(i, bufa)

            @pl.when(p < NP - 1)
            def _():
                gfire(i + 2, bufa, sema)

            gwait(bufb, semb)
            scat(i + 1, bufb)

            @pl.when(p < NP - 1)
            def _():
                gfire(i + 3, bufb, semb)

            return carry

        lax.fori_loop(0, NP, pair, 0)
        plsc.subcore_barrier()

        @pl.when(sid < _NS - 1)
        def _():
            pltpu.sync_copy(acc.at[pl.ds(r0, RP)], agg_hbm.at[cid, pl.ds(r0, RP)])

        @pl.when(sid == _NS - 1)
        def _():
            t0 = (_NS - 1) * RP
            pltpu.sync_copy(
                acc.at[pl.ds(t0, O_LAST)], agg_hbm.at[cid, pl.ds(t0, O_LAST)]
            )
        if with_deg:

            @pl.when(sid == 0)
            def _():
                pltpu.sync_copy(dacc.at[pl.ds(0, N)], deg_hbm.at[cid])

    return pl.kernel(
        body,
        out_type=out_type,
        mesh=mesh,
        scratch_types=scratch,
        compiler_params=pltpu.CompilerParams(use_tc_tiling_on_sc=False),
    )


def _mm1_body(x_ref, w_ref, b_ref, o_ref):
    o_ref[...] = (
        jnp.dot(x_ref[...], w_ref[...], preferred_element_type=jnp.float32)
        + b_ref[...]
    )


def _norm_from_partials(p_ref, deg_ref):
    agg = p_ref[0] + p_ref[1]
    deg = deg_ref[0] + deg_ref[1]
    h = jnp.maximum(agg / jnp.maximum(deg, 1.0), 0.0)
    nrm = jnp.sqrt(jnp.sum(h * h, axis=1, keepdims=True))
    return h / (nrm + 1e-6)


def _layer_body(p_ref, deg_ref, w_ref, b_ref, o_ref):
    h = _norm_from_partials(p_ref, deg_ref)
    o_ref[...] = (
        jnp.dot(h, w_ref[...], preferred_element_type=jnp.float32) + b_ref[...]
    )


def _head_body(p_ref, deg_ref, w1_ref, b1_ref, w2_ref, b2_ref, o_ref):
    h = _norm_from_partials(p_ref, deg_ref)
    z = jnp.maximum(
        jnp.dot(h, w1_ref[...], preferred_element_type=jnp.float32) + b1_ref[...],
        0.0,
    )
    y = jnp.dot(z, w2_ref[...], preferred_element_type=jnp.float32) + b2_ref[...]
    o_ref[...] = 1.0 / (1.0 + jnp.exp(-y))


def _mm1(x, W, b, bm=2000):
    N, D = x.shape
    H = W.shape[1]
    return pl.pallas_call(
        _mm1_body,
        grid=(N // bm,),
        in_specs=[
            pl.BlockSpec((bm, D), lambda i: (i, 0)),
            pl.BlockSpec((D, H), lambda i: (0, 0)),
            pl.BlockSpec((1, H), lambda i: (0, 0)),
        ],
        out_specs=pl.BlockSpec((bm, H), lambda i: (i, 0)),
        out_shape=jax.ShapeDtypeStruct((N, H), jnp.float32),
    )(x, W, b.reshape(1, H))


def _layer(p, deg, W, b, bm=2000):
    _, N, H = p.shape
    return pl.pallas_call(
        _layer_body,
        grid=(N // bm,),
        in_specs=[
            pl.BlockSpec((_NC, bm, H), lambda i: (0, i, 0)),
            pl.BlockSpec((_NC, bm, 1), lambda i: (0, i, 0)),
            pl.BlockSpec((H, H), lambda i: (0, 0)),
            pl.BlockSpec((1, H), lambda i: (0, 0)),
        ],
        out_specs=pl.BlockSpec((bm, H), lambda i: (i, 0)),
        out_shape=jax.ShapeDtypeStruct((N, H), jnp.float32),
    )(p, deg, W, b.reshape(1, H))


def _head(p, deg, Wm1, bm1, Wm2, bm2, bm=2000):
    _, N, H = p.shape
    K = Wm1.shape[1]
    return pl.pallas_call(
        _head_body,
        grid=(N // bm,),
        in_specs=[
            pl.BlockSpec((_NC, bm, H), lambda i: (0, i, 0)),
            pl.BlockSpec((_NC, bm, 1), lambda i: (0, i, 0)),
            pl.BlockSpec((H, K), lambda i: (0, 0)),
            pl.BlockSpec((1, K), lambda i: (0, 0)),
            pl.BlockSpec((K, 1), lambda i: (0, 0)),
            pl.BlockSpec((1, 1), lambda i: (0, 0)),
        ],
        out_specs=pl.BlockSpec((bm, 1), lambda i: (i, 0)),
        out_shape=jax.ShapeDtypeStruct((N, 1), jnp.float32),
    )(p, deg, Wm1, bm1.reshape(1, K), Wm2, bm2.reshape(1, 1))


def kernel(x, edge_index, W1, b1, W2, b2, W3, b3, Wm1, bm1, Wm2, bm2):
    N, D = x.shape
    H = W1.shape[1]
    E = edge_index.shape[1]
    NW = _NC * _NS
    ncw = -(-E // (_C * NW))
    ncw += ncw % 2
    E_pad = ncw * _C * NW
    src = jnp.concatenate(
        [edge_index[0], jnp.zeros((E_pad - E,), jnp.int32)]
    ).reshape(-1, _C)
    dst = jnp.concatenate(
        [edge_index[1], jnp.full((E_pad - E,), N, jnp.int32)]
    ).reshape(-1, _C)
    znh = jnp.zeros((N + 8, H), jnp.float32)
    zn = jnp.zeros((N + 8,), jnp.float32)

    agg_first = _make_aggregate(N, H, E_pad, with_deg=True)
    agg_rest = _make_aggregate(N, H, E_pad, with_deg=False)

    m1 = _mm1(x, W1, b1)
    p1, deg2 = agg_first(m1, src, dst, znh, zn)
    deg2 = deg2.reshape(_NC, N, 1)
    m2 = _layer(p1, deg2, W2, b2)
    (p2,) = agg_rest(m2, src, dst, znh)
    m3 = _layer(p2, deg2, W3, b3)
    (p3,) = agg_rest(m3, src, dst, znh)
    return _head(p3, deg2, Wm1, bm1, Wm2, bm2)

# --- scband reference (transcript-rebuilt; emitter-appended) ---
"""Pipeline reference for scband-terminal-security-model-65438121721897 (READ-ONLY COPY).

The authoritative reference and input builder live on the scoring server;
editing this copy changes nothing except your own understanding.
"""

import jax, jax.numpy as jnp
import numpy as np

N = 10000
E = 320000
D = 128
H = 64

def setup_inputs(seed: int = 0) -> dict:
    key = jax.random.key(seed)
    ks = jax.random.split(key, 14)
    x = jax.random.normal(ks[0], (N, D), dtype=jnp.float32)
    edge_index = jax.random.randint(ks[1], (2, E), 0, N, dtype=jnp.int32)
    def lin(k, fi, fo):
        k1, k2 = jax.random.split(k)
        s = 1.0 / np.sqrt(fi)
        W = jax.random.uniform(k1, (fi, fo), jnp.float32, -s, s)
        b = jax.random.uniform(k2, (fo,), jnp.float32, -s, s)
        return W, b
    W1, b1 = lin(ks[2], D, H)
    W2, b2 = lin(ks[3], H, H)
    W3, b3 = lin(ks[4], H, H)
    Wm1, bm1 = lin(ks[5], H, 32)
    Wm2, bm2 = lin(ks[6], 32, 1)
    return {"x": x, "edge_index": edge_index, "W1": W1, "b1": b1, "W2": W2, "b2": b2, "W3": W3, "b3": b3, "Wm1": Wm1, "bm1": bm1, "Wm2": Wm2, "bm2": bm2}

def _uhg_layer(h, W, b, src, dst):
    # linear transform in projective/homogeneous space
    m = h @ W + b
    # gather messages from source nodes, scatter-add (mean) to destination nodes
    msgs = m[src]
    agg = jax.ops.segment_sum(msgs, dst, num_segments=N)
    deg = jax.ops.segment_sum(jnp.ones((E,), m.dtype), dst, num_segments=N)
    agg = agg / jnp.maximum(deg, 1.0)[:, None]
    h_out = jax.nn.relu(agg)
    # projective normalization (UHG embedding lives on projective sphere)
    norm = jnp.linalg.norm(h_out, axis=-1, keepdims=True)
    return h_out / (norm + 1e-6)

def reference(x, edge_index, W1, b1, W2, b2, W3, b3, Wm1, bm1, Wm2, bm2):
    src = edge_index[0]
    dst = edge_index[1]
    h = _uhg_layer(x, W1, b1, src, dst)
    h = _uhg_layer(h, W2, b2, src, dst)
    h = _uhg_layer(h, W3, b3, src, dst)
    # MLP head (dropout is identity in eval mode)
    z = jax.nn.relu(h @ Wm1 + bm1)
    out = jax.nn.sigmoid(z @ Wm2 + bm2)
    return out

if __name__ == "__main__":
    import jax
    _d = setup_inputs()
    print(jax.jit(kernel)(*tuple(_d.values())))

</pallas_src>

<mosaic_0001>
#map = affine_map<(d0, d1) -> (0, 0)>
#map1 = affine_map<(d0, d1) -> (0)>
#map2 = affine_map<(d0, d1) -> (0, 0, 0)>
module attributes {stable_mosaic.version = 14 : i64} {
  func.func @body(%arg0: i32, %arg1: i32, %arg2: memref<10000x64xf32, #tpu.memory_space<hbm>>, %arg3: memref<2560x128xi32, #tpu.memory_space<hbm>>, %arg4: memref<2560x128xi32, #tpu.memory_space<hbm>>, %arg5: memref<10008x64xf32, #tpu.memory_space<hbm>>, %arg6: memref<10008xf32, #tpu.memory_space<hbm>>, %arg7: memref<2x10000x64xf32, #tpu.memory_space<hbm>>, %arg8: memref<2x10000xf32, #tpu.memory_space<hbm>>, %arg9: memref<80x128xi32, #tpu.memory_space<vmem>>, %arg10: memref<80x128xi32, #tpu.memory_space<vmem>>, %arg11: memref<128x64xf32, #tpu.memory_space<vmem>>, %arg12: memref<128x64xf32, #tpu.memory_space<vmem>>, %arg13: memref<10008x64xf32, #tpu.memory_space<vmem_shared>>, %arg14: memref<!tpu.dma_semaphore, #tpu.memory_space<semaphore_mem>>, %arg15: memref<!tpu.dma_semaphore, #tpu.memory_space<semaphore_mem>>, %arg16: memref<128xf32, #tpu.memory_space<vmem>>, %arg17: memref<10008xf32, #tpu.memory_space<vmem_shared>>) attributes {dimension_semantics = [#tpu.dimension_semantics<core_parallel>, #tpu.dimension_semantics<subcore_parallel>], iteration_bounds = array<i64: 2, 16>, scalar_prefetch = 0 : i64, scratch_operands = 9 : i64, tpu.core_type = #tpu.core_type<sc_vector_subcore>, window_params = [{transform_indices = #map}, {transform_indices = #map}, {transform_indices = #map}, {transform_indices = #map}, {transform_indices = #map1}, {transform_indices = #map2}, {transform_indices = #map}]} {
    %mul3A = arith.constant 2 : i32
    %mul3A_0 = arith.muli %arg1, %mul3A : i32
    %add3A = arith.addi %mul3A_0, %arg0 : i32
    %mul3A_1 = arith.constant 80 : i32
    %mul3A_2 = arith.muli %add3A, %mul3A_1 : i32
    %multiple_of3A = tpu.assume_multiple %mul3A_2, 8 : i32
    "tpu.region"() ({
      %run_scoped3A = tpu.sem_alloc : memref<!tpu.dma_semaphore, #tpu.memory_space<semaphore_mem>>
      %dma_start3A_97 = arith.constant 0 : i32
      %dma_start3A_98 = tpu.memref_slice %arg3[%multiple_of3A, %dma_start3A_97] : memref<2560x128xi32, #tpu.memory_space<hbm>> -> memref<80x128xi32, #tpu.memory_space<hbm>>
      %dma_start3A_99 = arith.constant 0 : i32
      %dma_start3A_100 = tpu.memref_slice %arg3[%multiple_of3A, %dma_start3A_99] : memref<2560x128xi32, #tpu.memory_space<hbm>> -> memref<80x128xi32, #tpu.memory_space<hbm>>
      tpu.enqueue_dma source(%dma_start3A_100 : memref<80x128xi32, #tpu.memory_space<hbm>>) target(%arg9 : memref<80x128xi32, #tpu.memory_space<vmem>>) target_semaphore(%run_scoped3A : memref<!tpu.dma_semaphore, #tpu.memory_space<semaphore_mem>>)
      %dma_wait3A = arith.constant 0 : i32
      %dma_wait3A_101 = tpu.memref_slice %arg3[%multiple_of3A, %dma_wait3A] : memref<2560x128xi32, #tpu.memory_space<hbm>> -> memref<80x128xi32, #tpu.memory_space<hbm>>
      %dma_wait3A_102 = arith.constant 0 : i32
      %dma_wait3A_103 = tpu.memref_slice %arg3[%multiple_of3A, %dma_wait3A_102] : memref<2560x128xi32, #tpu.memory_space<hbm>> -> memref<80x128xi32, #tpu.memory_space<hbm>>
      tpu.wait_dma2 semaphore(%run_scoped3A : memref<!tpu.dma_semaphore, #tpu.memory_space<semaphore_mem>>) src(%dma_wait3A_103 : memref<80x128xi32, #tpu.memory_space<hbm>>) dst(%arg9 : memref<80x128xi32, #tpu.memory_space<vmem>>)
      tpu.yield
    }) : () -> ()
    "tpu.region"() ({
      %run_scoped3A = tpu.sem_alloc : memref<!tpu.dma_semaphore, #tpu.memory_space<semaphore_mem>>
      %dma_start3A_97 = arith.constant 0 : i32
      %dma_start3A_98 = tpu.memref_slice %arg4[%multiple_of3A, %dma_start3A_97] : memref<2560x128xi32, #tpu.memory_space<hbm>> -> memref<80x128xi32, #tpu.memory_space<hbm>>
      %dma_start3A_99 = arith.constant 0 : i32
      %dma_start3A_100 = tpu.memref_slice %arg4[%multiple_of3A, %dma_start3A_99] : memref<2560x128xi32, #tpu.memory_space<hbm>> -> memref<80x128xi32, #tpu.memory_space<hbm>>
      tpu.enqueue_dma source(%dma_start3A_100 : memref<80x128xi32, #tpu.memory_space<hbm>>) target(%arg10 : memref<80x128xi32, #tpu.memory_space<vmem>>) target_semaphore(%run_scoped3A : memref<!tpu.dma_semaphore, #tpu.memory_space<semaphore_mem>>)
      %dma_wait3A = arith.constant 0 : i32
      %dma_wait3A_101 = tpu.memref_slice %arg4[%multiple_of3A, %dma_wait3A] : memref<2560x128xi32, #tpu.memory_space<hbm>> -> memref<80x128xi32, #tpu.memory_space<hbm>>
      %dma_wait3A_102 = arith.constant 0 : i32
      %dma_wait3A_103 = tpu.memref_slice %arg4[%multiple_of3A, %dma_wait3A_102] : memref<2560x128xi32, #tpu.memory_space<hbm>> -> memref<80x128xi32, #tpu.memory_space<hbm>>
      tpu.wait_dma2 semaphore(%run_scoped3A : memref<!tpu.dma_semaphore, #tpu.memory_space<semaphore_mem>>) src(%dma_wait3A_103 : memref<80x128xi32, #tpu.memory_space<hbm>>) dst(%arg10 : memref<80x128xi32, #tpu.memory_space<vmem>>)
      tpu.yield
    }) : () -> ()
    %mul3A_3 = arith.constant 632 : i32
    %mul3A_4 = arith.muli %arg1, %mul3A_3 : i32
    %multiple_of3A_5 = tpu.assume_multiple %mul3A_4, 8 : i32
    %lt3A = arith.constant 15 : i32
    %lt3A_6 = arith.cmpi slt, %arg1, %lt3A : i32
    %convert_element_type3A = arith.extui %lt3A_6 : i1 to i32
    %cond3A = arith.constant 0 : i32
    %cond3A_7 = arith.cmpi ne, %convert_element_type3A, %cond3A : i32
    scf.if %cond3A_7 {
      "tpu.region"() ({
        %run_scoped3A = tpu.sem_alloc : memref<!tpu.dma_semaphore, #tpu.memory_space<semaphore_mem>>
        %dma_start3A_97 = arith.constant 0 : i32
        %dma_start3A_98 = tpu.memref_slice %arg13[%multiple_of3A_5, %dma_start3A_97] : memref<10008x64xf32, #tpu.memory_space<vmem_shared>> -> memref<632x64xf32, #tpu.memory_space<vmem_shared>>
        %dma_start3A_99 = arith.constant 0 : i32
        %dma_start3A_100 = tpu.memref_slice %arg5[%multiple_of3A_5, %dma_start3A_99] : memref<10008x64xf32, #tpu.memory_space<hbm>> -> memref<632x64xf32, #tpu.memory_space<hbm>>
        tpu.enqueue_dma source(%dma_start3A_100 : memref<632x64xf32, #tpu.memory_space<hbm>>) target(%dma_start3A_98 : memref<632x64xf32, #tpu.memory_space<vmem_shared>>) target_semaphore(%run_scoped3A : memref<!tpu.dma_semaphore, #tpu.memory_space<semaphore_mem>>)
        %dma_wait3A = arith.constant 0 : i32
        %dma_wait3A_101 = tpu.memref_slice %arg13[%multiple_of3A_5, %dma_wait3A] : memref<10008x64xf32, #tpu.memory_space<vmem_shared>> -> memref<632x64xf32, #tpu.memory_space<vmem_shared>>
        %dma_wait3A_102 = arith.constant 0 : i32
        %dma_wait3A_103 = tpu.memref_slice %arg5[%multiple_of3A_5, %dma_wait3A_102] : memref<10008x64xf32, #tpu.memory_space<hbm>> -> memref<632x64xf32, #tpu.memory_space<hbm>>
        tpu.wait_dma2 semaphore(%run_scoped3A : memref<!tpu.dma_semaphore, #tpu.memory_space<semaphore_mem>>) src(%dma_wait3A_103 : memref<632x64xf32, #tpu.memory_space<hbm>>) dst(%dma_wait3A_101 : memref<632x64xf32, #tpu.memory_space<vmem_shared>>)
        tpu.yield
      }) : () -> ()
    } else {
    }
    %eq3A = arith.constant 15 : i32
    %eq3A_8 = arith.cmpi eq, %arg1, %eq3A : i32
    %convert_element_type3A_9 = arith.extui %eq3A_8 : i1 to i32
    %cond3A_10 = arith.constant 0 : i32
    %cond3A_11 = arith.cmpi ne, %convert_element_type3A_9, %cond3A_10 : i32
    scf.if %cond3A_11 {
      "tpu.region"() ({
        %run_scoped3A = tpu.sem_alloc : memref<!tpu.dma_semaphore, #tpu.memory_space<semaphore_mem>>
        %dma_start3A_97 = arith.constant 9480 : i32
        %dma_start3A_98 = arith.constant 0 : i32
        %dma_start3A_99 = tpu.memref_slice %arg13[%dma_start3A_97, %dma_start3A_98] : memref<10008x64xf32, #tpu.memory_space<vmem_shared>> -> memref<528x64xf32, #tpu.memory_space<vmem_shared>>
        %dma_start3A_100 = arith.constant 9480 : i32
        %dma_start3A_101 = arith.constant 0 : i32
        %dma_start3A_102 = tpu.memref_slice %arg5[%dma_start3A_100, %dma_start3A_101] : memref<10008x64xf32, #tpu.memory_space<hbm>> -> memref<528x64xf32, #tpu.memory_space<hbm>>
        tpu.enqueue_dma source(%dma_start3A_102 : memref<528x64xf32, #tpu.memory_space<hbm>>) target(%dma_start3A_99 : memref<528x64xf32, #tpu.memory_space<vmem_shared>>) target_semaphore(%run_scoped3A : memref<!tpu.dma_semaphore, #tpu.memory_space<semaphore_mem>>)
        %dma_wait3A = arith.constant 9480 : i32
        %dma_wait3A_103 = arith.constant 0 : i32
        %dma_wait3A_104 = tpu.memref_slice %arg13[%dma_wait3A, %dma_wait3A_103] : memref<10008x64xf32, #tpu.memory_space<vmem_shared>> -> memref<528x64xf32, #tpu.memory_space<vmem_shared>>
        %dma_wait3A_105 = arith.constant 9480 : i32
        %dma_wait3A_106 = arith.constant 0 : i32
        %dma_wait3A_107 = tpu.memref_slice %arg5[%dma_wait3A_105, %dma_wait3A_106] : memref<10008x64xf32, #tpu.memory_space<hbm>> -> memref<528x64xf32, #tpu.memory_space<hbm>>
        tpu.wait_dma2 semaphore(%run_scoped3A : memref<!tpu.dma_semaphore, #tpu.memory_space<semaphore_mem>>) src(%dma_wait3A_107 : memref<528x64xf32, #tpu.memory_space<hbm>>) dst(%dma_wait3A_104 : memref<528x64xf32, #tpu.memory_space<vmem_shared>>)
        tpu.yield
      }) : () -> ()
    } else {
    }
    %eq3A_12 = arith.constant 0 : i32
    %eq3A_13 = arith.cmpi eq, %arg1, %eq3A_12 : i32
    %convert_element_type3A_14 = arith.extui %eq3A_13 : i1 to i32
    %cond3A_15 = arith.constant 0 : i32
    %cond3A_16 = arith.cmpi ne, %convert_element_type3A_14, %cond3A_15 : i32
    scf.if %cond3A_16 {
      "tpu.region"() ({
        %run_scoped3A = tpu.sem_alloc : memref<!tpu.dma_semaphore, #tpu.memory_space<semaphore_mem>>
        tpu.enqueue_dma source(%arg6 : memref<10008xf32, #tpu.memory_space<hbm>>) target(%arg17 : memref<10008xf32, #tpu.memory_space<vmem_shared>>) target_semaphore(%run_scoped3A : memref<!tpu.dma_semaphore, #tpu.memory_space<semaphore_mem>>)
        tpu.wait_dma2 semaphore(%run_scoped3A : memref<!tpu.dma_semaphore, #tpu.memory_space<semaphore_mem>>) src(%arg6 : memref<10008xf32, #tpu.memory_space<hbm>>) dst(%arg17 : memref<10008xf32, #tpu.memory_space<vmem_shared>>)
        tpu.yield
      }) : () -> ()
    } else {
    }
    %broadcast_in_dim3A = arith.constant 1.000000e+00 : f32
    %broadcast_in_dim3A_17 = vector.broadcast %broadcast_in_dim3A : f32 to vector<16xf32>
    %swap3A = arith.constant 0 : index
    %swap3A_18 = tpu.vector_load %arg16[%swap3A] {strides = array<i32>} : memref<128xf32, #tpu.memory_space<vmem>>, vector<16xf32>,
    %swap3A_19 = vector.shape_cast %swap3A_18 : vector<16xf32> to vector<16xf32>
    %swap3A_20 = vector.shape_cast %broadcast_in_dim3A_17 : vector<16xf32> to vector<16xf32>
    tpu.vector_store %arg16[%swap3A], %swap3A_20 {strides = array<i32>} : memref<128xf32, #tpu.memory_space<vmem>>, vector<16xf32>,
    %broadcast_in_dim3A_21 = arith.constant 1.000000e+00 : f32
    %broadcast_in_dim3A_22 = vector.broadcast %broadcast_in_dim3A_21 : f32 to vector<16xf32>
    %swap3A_23 = arith.constant 16 : index
    %swap3A_24 = tpu.vector_load %arg16[%swap3A_23] {strides = array<i32>} : memref<128xf32, #tpu.memory_space<vmem>>, vector<16xf32>,
    %swap3A_25 = vector.shape_cast %swap3A_24 : vector<16xf32> to vector<16xf32>
    %swap3A_26 = vector.shape_cast %broadcast_in_dim3A_22 : vector<16xf32> to vector<16xf32>
    tpu.vector_store %arg16[%swap3A_23], %swap3A_26 {strides = array<i32>} : memref<128xf32, #tpu.memory_space<vmem>>, vector<16xf32>,
    %broadcast_in_dim3A_27 = arith.constant 1.000000e+00 : f32
    %broadcast_in_dim3A_28 = vector.broadcast %broadcast_in_dim3A_27 : f32 to vector<16xf32>
    %swap3A_29 = arith.constant 32 : index
    %swap3A_30 = tpu.vector_load %arg16[%swap3A_29] {strides = array<i32>} : memref<128xf32, #tpu.memory_space<vmem>>, vector<16xf32>,
    %swap3A_31 = vector.shape_cast %swap3A_30 : vector<16xf32> to vector<16xf32>
    %swap3A_32 = vector.shape_cast %broadcast_in_dim3A_28 : vector<16xf32> to vector<16xf32>
    tpu.vector_store %arg16[%swap3A_29], %swap3A_32 {strides = array<i32>} : memref<128xf32, #tpu.memory_space<vmem>>, vector<16xf32>,
    %broadcast_in_dim3A_33 = arith.constant 1.000000e+00 : f32
    %broadcast_in_dim3A_34 = vector.broadcast %broadcast_in_dim3A_33 : f32 to vector<16xf32>
    %swap3A_35 = arith.constant 48 : index
    %swap3A_36 = tpu.vector_load %arg16[%swap3A_35] {strides = array<i32>} : memref<128xf32, #tpu.memory_space<vmem>>, vector<16xf32>,
    %swap3A_37 = vector.shape_cast %swap3A_36 : vector<16xf32> to vector<16xf32>
    %swap3A_38 = vector.shape_cast %broadcast_in_dim3A_34 : vector<16xf32> to vector<16xf32>
    tpu.vector_store %arg16[%swap3A_35], %swap3A_38 {strides = array<i32>} : memref<128xf32, #tpu.memory_space<vmem>>, vector<16xf32>,
    %broadcast_in_dim3A_39 = arith.constant 1.000000e+00 : f32
    %broadcast_in_dim3A_40 = vector.broadcast %broadcast_in_dim3A_39 : f32 to vector<16xf32>
    %swap3A_41 = arith.constant 64 : index
    %swap3A_42 = tpu.vector_load %arg16[%swap3A_41] {strides = array<i32>} : memref<128xf32, #tpu.memory_space<vmem>>, vector<16xf32>,
    %swap3A_43 = vector.shape_cast %swap3A_42 : vector<16xf32> to vector<16xf32>
    %swap3A_44 = vector.shape_cast %broadcast_in_dim3A_40 : vector<16xf32> to vector<16xf32>
    tpu.vector_store %arg16[%swap3A_41], %swap3A_44 {strides = array<i32>} : memref<128xf32, #tpu.memory_space<vmem>>, vector<16xf32>,
    %broadcast_in_dim3A_45 = arith.constant 1.000000e+00 : f32
    %broadcast_in_dim3A_46 = vector.broadcast %broadcast_in_dim3A_45 : f32 to vector<16xf32>
    %swap3A_47 = arith.constant 80 : index
    %swap3A_48 = tpu.vector_load %arg16[%swap3A_47] {strides = array<i32>} : memref<128xf32, #tpu.memory_space<vmem>>, vector<16xf32>,
    %swap3A_49 = vector.shape_cast %swap3A_48 : vector<16xf32> to vector<16xf32>
    %swap3A_50 = vector.shape_cast %broadcast_in_dim3A_46 : vector<16xf32> to vector<16xf32>
    tpu.vector_store %arg16[%swap3A_47], %swap3A_50 {strides = array<i32>} : memref<128xf32, #tpu.memory_space<vmem>>, vector<16xf32>,
    %broadcast_in_dim3A_51 = arith.constant 1.000000e+00 : f32
    %broadcast_in_dim3A_52 = vector.broadcast %broadcast_in_dim3A_51 : f32 to vector<16xf32>
    %swap3A_53 = arith.constant 96 : index
    %swap3A_54 = tpu.vector_load %arg16[%swap3A_53] {strides = array<i32>} : memref<128xf32, #tpu.memory_space<vmem>>, vector<16xf32>,
    %swap3A_55 = vector.shape_cast %swap3A_54 : vector<16xf32> to vector<16xf32>
    %swap3A_56 = vector.shape_cast %broadcast_in_dim3A_52 : vector<16xf32> to vector<16xf32>
    tpu.vector_store %arg16[%swap3A_53], %swap3A_56 {strides = array<i32>} : memref<128xf32, #tpu.memory_space<vmem>>, vector<16xf32>,
    %broadcast_in_dim3A_57 = arith.constant 1.000000e+00 : f32
    %broadcast_in_dim3A_58 = vector.broadcast %broadcast_in_dim3A_57 : f32 to vector<16xf32>
    %swap3A_59 = arith.constant 112 : index
    %swap3A_60 = tpu.vector_load %arg16[%swap3A_59] {strides = array<i32>} : memref<128xf32, #tpu.memory_space<vmem>>, vector<16xf32>,
    %swap3A_61 = vector.shape_cast %swap3A_60 : vector<16xf32> to vector<16xf32>
    %swap3A_62 = vector.shape_cast %broadcast_in_dim3A_58 : vector<16xf32> to vector<16xf32>
    tpu.vector_store %arg16[%swap3A_59], %swap3A_62 {strides = array<i32>} : memref<128xf32, #tpu.memory_space<vmem>>, vector<16xf32>,
    %barrier3A = arith.constant 0 : index
    tpu.barrier barrier_id(%barrier3A)
    %dma_start3A = arith.constant 0 : i32
    %dma_start3A_63 = arith.constant 0 : i32
    %dma_start3A_64 = tpu.memref_slice %arg9[%dma_start3A, %dma_start3A_63] : memref<80x128xi32, #tpu.memory_space<vmem>> -> memref<1x128xi32, #tpu.memory_space<vmem>>
    %dma_start3A_65 = tpu.memref_squeeze %dma_start3A_64 : memref<1x128xi32, #tpu.memory_space<vmem>> -> memref<128xi32, #tpu.memory_space<vmem>>
    %dma_start3A_66 = arith.constant 0 : i32
    %dma_start3A_67 = arith.constant 0 : i32
    %dma_start3A_68 = tpu.memref_slice %arg2[%dma_start3A_66, %dma_start3A_67] : memref<10000x64xf32, #tpu.memory_space<hbm>> -> memref<10000x64xf32, #tpu.memory_space<hbm>>
    tpu.enqueue_indirect_dma source(%dma_start3A_68 : memref<10000x64xf32, #tpu.memory_space<hbm>>) target(%arg11 : memref<128x64xf32, #tpu.memory_space<vmem>>) offsets(%dma_start3A_65 : memref<128xi32, #tpu.memory_space<vmem>>) semaphore(%arg14 : memref<!tpu.dma_semaphore, #tpu.memory_space<semaphore_mem>>)
    %dma_start3A_69 = arith.constant 1 : i32
    %dma_start3A_70 = arith.constant 0 : i32
    %dma_start3A_71 = tpu.memref_slice %arg9[%dma_start3A_69, %dma_start3A_70] : memref<80x128xi32, #tpu.memory_space<vmem>> -> memref<1x128xi32, #tpu.memory_space<vmem>>
    %dma_start3A_72 = tpu.memref_squeeze %dma_start3A_71 : memref<1x128xi32, #tpu.memory_space<vmem>> -> memref<128xi32, #tpu.memory_space<vmem>>
    %dma_start3A_73 = arith.constant 0 : i32
    %dma_start3A_74 = arith.constant 0 : i32
    %dma_start3A_75 = tpu.memref_slice %arg2[%dma_start3A_73, %dma_start3A_74] : memref<10000x64xf32, #tpu.memory_space<hbm>> -> memref<10000x64xf32, #tpu.memory_space<hbm>>
    tpu.enqueue_indirect_dma source(%dma_start3A_75 : memref<10000x64xf32, #tpu.memory_space<hbm>>) target(%arg12 : memref<128x64xf32, #tpu.memory_space<vmem>>) offsets(%dma_start3A_72 : memref<128xi32, #tpu.memory_space<vmem>>) semaphore(%arg15 : memref<!tpu.dma_semaphore, #tpu.memory_space<semaphore_mem>>)
    %scan3A = arith.constant 0 : i32
    %scan3A_76 = arith.constant 0 : i32
    %scan3A_77 = arith.constant 40 : i32
    %scan3A_78 = arith.addi %scan3A_76, %scan3A_77 : i32
    %scan3A_79 = arith.constant 1 : i32
    scf.for %scan3A_97 = %scan3A_76 to %scan3A_78 step %scan3A_79  : i32 {
      %mul3A_98 = arith.constant 2 : i32
      %mul3A_99 = arith.muli %scan3A_97, %mul3A_98 : i32
      %dma_wait3A = arith.constant 0 : i32
      %dma_wait3A_100 = arith.constant 0 : i32
      %dma_wait3A_101 = tpu.memref_slice %arg9[%dma_wait3A, %dma_wait3A_100] : memref<80x128xi32, #tpu.memory_space<vmem>> -> memref<1x128xi32, #tpu.memory_space<vmem>>
      %dma_wait3A_102 = tpu.memref_squeeze %dma_wait3A_101 : memref<1x128xi32, #tpu.memory_space<vmem>> -> memref<128xi32, #tpu.memory_space<vmem>>
      %dma_wait3A_103 = arith.constant 0 : i32
      %dma_wait3A_104 = arith.constant 0 : i32
      %dma_wait3A_105 = tpu.memref_slice %arg2[%dma_wait3A_103, %dma_wait3A_104] : memref<10000x64xf32, #tpu.memory_space<hbm>> -> memref<10000x64xf32, #tpu.memory_space<hbm>>
      tpu.wait_indirect_dma semaphore(%arg14 : memref<!tpu.dma_semaphore, #tpu.memory_space<semaphore_mem>>) src(%dma_wait3A_105 : memref<10000x64xf32, #tpu.memory_space<hbm>>) dst(%arg11 : memref<128x64xf32, #tpu.memory_space<vmem>>)
      "tpu.region"() ({
        %run_scoped3A = tpu.sem_alloc : memref<!tpu.dma_semaphore, #tpu.memory_space<semaphore_mem>>
        %dma_start3A_125 = arith.constant 0 : i32
        %dma_start3A_126 = tpu.memref_slice %arg10[%mul3A_99, %dma_start3A_125] : memref<80x128xi32, #tpu.memory_space<vmem>> -> memref<1x128xi32, #tpu.memory_space<vmem>>
        %dma_start3A_127 = tpu.memref_squeeze %dma_start3A_126 : memref<1x128xi32, #tpu.memory_space<vmem>> -> memref<128xi32, #tpu.memory_space<vmem>>
        %dma_start3A_128 = arith.constant 0 : i32
        %dma_start3A_129 = arith.constant 0 : i32
        %dma_start3A_130 = tpu.memref_slice %arg13[%dma_start3A_128, %dma_start3A_129] : memref<10008x64xf32, #tpu.memory_space<vmem_shared>> -> memref<10008x64xf32, #tpu.memory_space<vmem_shared>>
        tpu.enqueue_indirect_dma source(%arg11 : memref<128x64xf32, #tpu.memory_space<vmem>>) target(%dma_start3A_130 : memref<10008x64xf32, #tpu.memory_space<vmem_shared>>) offsets(%dma_start3A_127 : memref<128xi32, #tpu.memory_space<vmem>>) semaphore(%run_scoped3A : memref<!tpu.dma_semaphore, #tpu.memory_space<semaphore_mem>>) {add = true}
        %dma_wait3A_131 = arith.constant 0 : i32
        %dma_wait3A_132 = tpu.memref_slice %arg10[%mul3A_99, %dma_wait3A_131] : memref<80x128xi32, #tpu.memory_space<vmem>> -> memref<1x128xi32, #tpu.memory_space<vmem>>
        %dma_wait3A_133 = tpu.memref_squeeze %dma_wait3A_132 : memref<1x128xi32, #tpu.memory_space<vmem>> -> memref<128xi32, #tpu.memory_space<vmem>>
        %dma_wait3A_134 = arith.constant 0 : i32
        %dma_wait3A_135 = arith.constant 0 : i32
        %dma_wait3A_136 = tpu.memref_slice %arg13[%dma_wait3A_134, %dma_wait3A_135] : memref<10008x64xf32, #tpu.memory_space<vmem_shared>> -> memref<10008x64xf32, #tpu.memory_space<vmem_shared>>
        tpu.wait_indirect_dma semaphore(%run_scoped3A : memref<!tpu.dma_semaphore, #tpu.memory_space<semaphore_mem>>) src(%arg11 : memref<128x64xf32, #tpu.memory_space<vmem>>) dst(%dma_wait3A_136 : memref<10008x64xf32, #tpu.memory_space<vmem_shared>>)
        tpu.yield
      }) : () -> ()
      "tpu.region"() ({
        %run_scoped3A = tpu.sem_alloc : memref<!tpu.dma_semaphore, #tpu.memory_space<semaphore_mem>>
        %dma_start3A_125 = arith.constant 0 : i32
        %dma_start3A_126 = tpu.memref_slice %arg10[%mul3A_99, %dma_start3A_125] : memref<80x128xi32, #tpu.memory_space<vmem>> -> memref<1x128xi32, #tpu.memory_space<vmem>>
        %dma_start3A_127 = tpu.memref_squeeze %dma_start3A_126 : memref<1x128xi32, #tpu.memory_space<vmem>> -> memref<128xi32, #tpu.memory_space<vmem>>
        %dma_start3A_128 = arith.constant 0 : i32
        %dma_start3A_129 = tpu.memref_slice %arg17[%dma_start3A_128] : memref<10008xf32, #tpu.memory_space<vmem_shared>> -> memref<10008xf32, #tpu.memory_space<vmem_shared>>
        tpu.enqueue_indirect_dma source(%arg16 : memref<128xf32, #tpu.memory_space<vmem>>) target(%dma_start3A_129 : memref<10008xf32, #tpu.memory_space<vmem_shared>>) offsets(%dma_start3A_127 : memref<128xi32, #tpu.memory_space<vmem>>) semaphore(%run_scoped3A : memref<!tpu.dma_semaphore, #tpu.memory_space<semaphore_mem>>) {add = true}
        %dma_wait3A_130 = arith.constant 0 : i32
        %dma_wait3A_131 = tpu.memref_slice %arg10[%mul3A_99, %dma_wait3A_130] : memref<80x128xi32, #tpu.memory_space<vmem>> -> memref<1x128xi32, #tpu.memory_space<vmem>>
        %dma_wait3A_132 = tpu.memref_squeeze %dma_wait3A_131 : memref<1x128xi32, #tpu.memory_space<vmem>> -> memref<128xi32, #tpu.memory_space<vmem>>
        %dma_wait3A_133 = arith.constant 0 : i32
        %dma_wait3A_134 = tpu.memref_slice %arg17[%dma_wait3A_133] : memref<10008xf32, #tpu.memory_space<vmem_shared>> -> memref<10008xf32, #tpu.memory_space<vmem_shared>>
        tpu.wait_indirect_dma semaphore(%run_scoped3A : memref<!tpu.dma_semaphore, #tpu.memory_space<semaphore_mem>>) src(%arg16 : memref<128xf32, #tpu.memory_space<vmem>>) dst(%dma_wait3A_134 : memref<10008xf32, #tpu.memory_space<vmem_shared>>)
        tpu.yield
      }) : () -> ()
      %lt3A_106 = arith.constant 39 : i32
      %lt3A_107 = arith.cmpi slt, %scan3A_97, %lt3A_106 : i32
      %convert_element_type3A_108 = arith.extui %lt3A_107 : i1 to i32
      %cond3A_109 = arith.constant 0 : i32
      %cond3A_110 = arith.cmpi ne, %convert_element_type3A_108, %cond3A_109 : i32
      scf.if %cond3A_110 {
        %add3A_125 = arith.constant 2 : i32
        %add3A_126 = arith.addi %mul3A_99, %add3A_125 : i32
        %dma_start3A_127 = arith.constant 0 : i32
        %dma_start3A_128 = tpu.memref_slice %arg9[%add3A_126, %dma_start3A_127] : memref<80x128xi32, #tpu.memory_space<vmem>> -> memref<1x128xi32, #tpu.memory_space<vmem>>
        %dma_start3A_129 = tpu.memref_squeeze %dma_start3A_128 : memref<1x128xi32, #tpu.memory_space<vmem>> -> memref<128xi32, #tpu.memory_space<vmem>>
        %dma_start3A_130 = arith.constant 0 : i32
        %dma_start3A_131 = arith.constant 0 : i32
        %dma_start3A_132 = tpu.memref_slice %arg2[%dma_start3A_130, %dma_start3A_131] : memref<10000x64xf32, #tpu.memory_space<hbm>> -> memref<10000x64xf32, #tpu.memory_space<hbm>>
        tpu.enqueue_indirect_dma source(%dma_start3A_132 : memref<10000x64xf32, #tpu.memory_space<hbm>>) target(%arg11 : memref<128x64xf32, #tpu.memory_space<vmem>>) offsets(%dma_start3A_129 : memref<128xi32, #tpu.memory_space<vmem>>) semaphore(%arg14 : memref<!tpu.dma_semaphore, #tpu.memory_space<semaphore_mem>>)
      } else {
      }
      %dma_wait3A_111 = arith.constant 0 : i32
      %dma_wait3A_112 = arith.constant 0 : i32
      %dma_wait3A_113 = tpu.memref_slice %arg9[%dma_wait3A_111, %dma_wait3A_112] : memref<80x128xi32, #tpu.memory_space<vmem>> -> memref<1x128xi32, #tpu.memory_space<vmem>>
      %dma_wait3A_114 = tpu.memref_squeeze %dma_wait3A_113 : memref<1x128xi32, #tpu.memory_space<vmem>> -> memref<128xi32, #tpu.memory_space<vmem>>
      %dma_wait3A_115 = arith.constant 0 : i32
      %dma_wait3A_116 = arith.constant 0 : i32
      %dma_wait3A_117 = tpu.memref_slice %arg2[%dma_wait3A_115, %dma_wait3A_116] : memref<10000x64xf32, #tpu.memory_space<hbm>> -> memref<10000x64xf32, #tpu.memory_space<hbm>>
      tpu.wait_indirect_dma semaphore(%arg15 : memref<!tpu.dma_semaphore, #tpu.memory_space<semaphore_mem>>) src(%dma_wait3A_117 : memref<10000x64xf32, #tpu.memory_space<hbm>>) dst(%arg12 : memref<128x64xf32, #tpu.memory_space<vmem>>)
      %add3A_118 = arith.constant 1 : i32
      %add3A_119 = arith.addi %mul3A_99, %add3A_118 : i32
      "tpu.region"() ({
        %run_scoped3A = tpu.sem_alloc : memref<!tpu.dma_semaphore, #tpu.memory_space<semaphore_mem>>
        %dma_start3A_125 = arith.constant 0 : i32
        %dma_start3A_126 = tpu.memref_slice %arg10[%add3A_119, %dma_start3A_125] : memref<80x128xi32, #tpu.memory_space<vmem>> -> memref<1x128xi32, #tpu.memory_space<vmem>>
        %dma_start3A_127 = tpu.memref_squeeze %dma_start3A_126 : memref<1x128xi32, #tpu.memory_space<vmem>> -> memref<128xi32, #tpu.memory_space<vmem>>
        %dma_start3A_128 = arith.constant 0 : i32
        %dma_start3A_129 = arith.constant 0 : i32
        %dma_start3A_130 = tpu.memref_slice %arg13[%dma_start3A_128, %dma_start3A_129] : memref<10008x64xf32, #tpu.memory_space<vmem_shared>> -> memref<10008x64xf32, #tpu.memory_space<vmem_shared>>
        tpu.enqueue_indirect_dma source(%arg12 : memref<128x64xf32, #tpu.memory_space<vmem>>) target(%dma_start3A_130 : memref<10008x64xf32, #tpu.memory_space<vmem_shared>>) offsets(%dma_start3A_127 : memref<128xi32, #tpu.memory_space<vmem>>) semaphore(%run_scoped3A : memref<!tpu.dma_semaphore, #tpu.memory_space<semaphore_mem>>) {add = true}
        %dma_wait3A_131 = arith.constant 0 : i32
        %dma_wait3A_132 = tpu.memref_slice %arg10[%add3A_119, %dma_wait3A_131] : memref<80x128xi32, #tpu.memory_space<vmem>> -> memref<1x128xi32, #tpu.memory_space<vmem>>
        %dma_wait3A_133 = tpu.memref_squeeze %dma_wait3A_132 : memref<1x128xi32, #tpu.memory_space<vmem>> -> memref<128xi32, #tpu.memory_space<vmem>>
        %dma_wait3A_134 = arith.constant 0 : i32
        %dma_wait3A_135 = arith.constant 0 : i32
        %dma_wait3A_136 = tpu.memref_slice %arg13[%dma_wait3A_134, %dma_wait3A_135] : memref<10008x64xf32, #tpu.memory_space<vmem_shared>> -> memref<10008x64xf32, #tpu.memory_space<vmem_shared>>
        tpu.wait_indirect_dma semaphore(%run_scoped3A : memref<!tpu.dma_semaphore, #tpu.memory_space<semaphore_mem>>) src(%arg12 : memref<128x64xf32, #tpu.memory_space<vmem>>) dst(%dma_wait3A_136 : memref<10008x64xf32, #tpu.memory_space<vmem_shared>>)
        tpu.yield
      }) : () -> ()
      "tpu.region"() ({
        %run_scoped3A = tpu.sem_alloc : memref<!tpu.dma_semaphore, #tpu.memory_space<semaphore_mem>>
        %dma_start3A_125 = arith.constant 0 : i32
        %dma_start3A_126 = tpu.memref_slice %arg10[%add3A_119, %dma_start3A_125] : memref<80x128xi32, #tpu.memory_space<vmem>> -> memref<1x128xi32, #tpu.memory_space<vmem>>
        %dma_start3A_127 = tpu.memref_squeeze %dma_start3A_126 : memref<1x128xi32, #tpu.memory_space<vmem>> -> memref<128xi32, #tpu.memory_space<vmem>>
        %dma_start3A_128 = arith.constant 0 : i32
        %dma_start3A_129 = tpu.memref_slice %arg17[%dma_start3A_128] : memref<10008xf32, #tpu.memory_space<vmem_shared>> -> memref<10008xf32, #tpu.memory_space<vmem_shared>>
        tpu.enqueue_indirect_dma source(%arg16 : memref<128xf32, #tpu.memory_space<vmem>>) target(%dma_start3A_129 : memref<10008xf32, #tpu.memory_space<vmem_shared>>) offsets(%dma_start3A_127 : memref<128xi32, #tpu.memory_space<vmem>>) semaphore(%run_scoped3A : memref<!tpu.dma_semaphore, #tpu.memory_space<semaphore_mem>>) {add = true}
        %dma_wait3A_130 = arith.constant 0 : i32
        %dma_wait3A_131 = tpu.memref_slice %arg10[%add3A_119, %dma_wait3A_130] : memref<80x128xi32, #tpu.memory_space<vmem>> -> memref<1x128xi32, #tpu.memory_space<vmem>>
        %dma_wait3A_132 = tpu.memref_squeeze %dma_wait3A_131 : memref<1x128xi32, #tpu.memory_space<vmem>> -> memref<128xi32, #tpu.memory_space<vmem>>
        %dma_wait3A_133 = arith.constant 0 : i32
        %dma_wait3A_134 = tpu.memref_slice %arg17[%dma_wait3A_133] : memref<10008xf32, #tpu.memory_space<vmem_shared>> -> memref<10008xf32, #tpu.memory_space<vmem_shared>>
        tpu.wait_indirect_dma semaphore(%run_scoped3A : memref<!tpu.dma_semaphore, #tpu.memory_space<semaphore_mem>>) src(%arg16 : memref<128xf32, #tpu.memory_space<vmem>>) dst(%dma_wait3A_134 : memref<10008xf32, #tpu.memory_space<vmem_shared>>)
        tpu.yield
      }) : () -> ()
      %lt3A_120 = arith.constant 39 : i32
      %lt3A_121 = arith.cmpi slt, %scan3A_97, %lt3A_120 : i32
      %convert_element_type3A_122 = arith.extui %lt3A_121 : i1 to i32
      %cond3A_123 = arith.constant 0 : i32
      %cond3A_124 = arith.cmpi ne, %convert_element_type3A_122, %cond3A_123 : i32
      scf.if %cond3A_124 {
        %add3A_125 = arith.constant 3 : i32
        %add3A_126 = arith.addi %mul3A_99, %add3A_125 : i32
        %dma_start3A_127 = arith.constant 0 : i32
        %dma_start3A_128 = tpu.memref_slice %arg9[%add3A_126, %dma_start3A_127] : memref<80x128xi32, #tpu.memory_space<vmem>> -> memref<1x128xi32, #tpu.memory_space<vmem>>
        %dma_start3A_129 = tpu.memref_squeeze %dma_start3A_128 : memref<1x128xi32, #tpu.memory_space<vmem>> -> memref<128xi32, #tpu.memory_space<vmem>>
        %dma_start3A_130 = arith.constant 0 : i32
        %dma_start3A_131 = arith.constant 0 : i32
        %dma_start3A_132 = tpu.memref_slice %arg2[%dma_start3A_130, %dma_start3A_131] : memref<10000x64xf32, #tpu.memory_space<hbm>> -> memref<10000x64xf32, #tpu.memory_space<hbm>>
        tpu.enqueue_indirect_dma source(%dma_start3A_132 : memref<10000x64xf32, #tpu.memory_space<hbm>>) target(%arg12 : memref<128x64xf32, #tpu.memory_space<vmem>>) offsets(%dma_start3A_129 : memref<128xi32, #tpu.memory_space<vmem>>) semaphore(%arg15 : memref<!tpu.dma_semaphore, #tpu.memory_space<semaphore_mem>>)
      } else {
      }
    }
    %scan3A_80 = arith.constant 40 : i32
    %barrier3A_81 = arith.constant 0 : index
    tpu.barrier barrier_id(%barrier3A_81)
    %lt3A_82 = arith.constant 15 : i32
    %lt3A_83 = arith.cmpi slt, %arg1, %lt3A_82 : i32
    %convert_element_type3A_84 = arith.extui %lt3A_83 : i1 to i32
    %cond3A_85 = arith.constant 0 : i32
    %cond3A_86 = arith.cmpi ne, %convert_element_type3A_84, %cond3A_85 : i32
    scf.if %cond3A_86 {
      "tpu.region"() ({
        %run_scoped3A = tpu.sem_alloc : memref<!tpu.dma_semaphore, #tpu.memory_space<semaphore_mem>>
        %dma_start3A_97 = arith.constant 0 : i32
        %dma_start3A_98 = tpu.memref_slice %arg7[%arg0, %multiple_of3A_5, %dma_start3A_97] : memref<2x10000x64xf32, #tpu.memory_space<hbm>> -> memref<1x632x64xf32, #tpu.memory_space<hbm>>
        %dma_start3A_99 = tpu.memref_squeeze %dma_start3A_98 : memref<1x632x64xf32, #tpu.memory_space<hbm>> -> memref<632x64xf32, #tpu.memory_space<hbm>>
        %dma_start3A_100 = arith.constant 0 : i32
        %dma_start3A_101 = tpu.memref_slice %arg13[%multiple_of3A_5, %dma_start3A_100] : memref<10008x64xf32, #tpu.memory_space<vmem_shared>> -> memref<632x64xf32, #tpu.memory_space<vmem_shared>>
        tpu.enqueue_dma source(%dma_start3A_101 : memref<632x64xf32, #tpu.memory_space<vmem_shared>>) target(%dma_start3A_99 : memref<632x64xf32, #tpu.memory_space<hbm>>) target_semaphore(%run_scoped3A : memref<!tpu.dma_semaphore, #tpu.memory_space<semaphore_mem>>)
        %dma_wait3A = arith.constant 0 : i32
        %dma_wait3A_102 = tpu.memref_slice %arg7[%arg0, %multiple_of3A_5, %dma_wait3A] : memref<2x10000x64xf32, #tpu.memory_space<hbm>> -> memref<1x632x64xf32, #tpu.memory_space<hbm>>
        %dma_wait3A_103 = tpu.memref_squeeze %dma_wait3A_102 : memref<1x632x64xf32, #tpu.memory_space<hbm>> -> memref<632x64xf32, #tpu.memory_space<hbm>>
        %dma_wait3A_104 = arith.constant 0 : i32
        %dma_wait3A_105 = tpu.memref_slice %arg13[%multiple_of3A_5, %dma_wait3A_104] : memref<10008x64xf32, #tpu.memory_space<vmem_shared>> -> memref<632x64xf32, #tpu.memory_space<vmem_shared>>
        tpu.wait_dma2 semaphore(%run_scoped3A : memref<!tpu.dma_semaphore, #tpu.memory_space<semaphore_mem>>) src(%dma_wait3A_105 : memref<632x64xf32, #tpu.memory_space<vmem_shared>>) dst(%dma_wait3A_103 : memref<632x64xf32, #tpu.memory_space<hbm>>)
        tpu.yield
      }) : () -> ()
    } else {
    }
    %eq3A_87 = arith.constant 15 : i32
    %eq3A_88 = arith.cmpi eq, %arg1, %eq3A_87 : i32
    %convert_element_type3A_89 = arith.extui %eq3A_88 : i1 to i32
    %cond3A_90 = arith.constant 0 : i32
    %cond3A_91 = arith.cmpi ne, %convert_element_type3A_89, %cond3A_90 : i32
    scf.if %cond3A_91 {
      "tpu.region"() ({
        %run_scoped3A = tpu.sem_alloc : memref<!tpu.dma_semaphore, #tpu.memory_space<semaphore_mem>>
        %dma_start3A_97 = arith.constant 9480 : i32
        %dma_start3A_98 = arith.constant 0 : i32
        %dma_start3A_99 = tpu.memref_slice %arg7[%arg0, %dma_start3A_97, %dma_start3A_98] : memref<2x10000x64xf32, #tpu.memory_space<hbm>> -> memref<1x520x64xf32, #tpu.memory_space<hbm>>
        %dma_start3A_100 = tpu.memref_squeeze %dma_start3A_99 : memref<1x520x64xf32, #tpu.memory_space<hbm>> -> memref<520x64xf32, #tpu.memory_space<hbm>>
        %dma_start3A_101 = arith.constant 9480 : i32
        %dma_start3A_102 = arith.constant 0 : i32
        %dma_start3A_103 = tpu.memref_slice %arg13[%dma_start3A_101, %dma_start3A_102] : memref<10008x64xf32, #tpu.memory_space<vmem_shared>> -> memref<520x64xf32, #tpu.memory_space<vmem_shared>>
        tpu.enqueue_dma source(%dma_start3A_103 : memref<520x64xf32, #tpu.memory_space<vmem_shared>>) target(%dma_start3A_100 : memref<520x64xf32, #tpu.memory_space<hbm>>) target_semaphore(%run_scoped3A : memref<!tpu.dma_semaphore, #tpu.memory_space<semaphore_mem>>)
        %dma_wait3A = arith.constant 9480 : i32
        %dma_wait3A_104 = arith.constant 0 : i32
        %dma_wait3A_105 = tpu.memref_slice %arg7[%arg0, %dma_wait3A, %dma_wait3A_104] : memref<2x10000x64xf32, #tpu.memory_space<hbm>> -> memref<1x520x64xf32, #tpu.memory_space<hbm>>
        %dma_wait3A_106 = tpu.memref_squeeze %dma_wait3A_105 : memref<1x520x64xf32, #tpu.memory_space<hbm>> -> memref<520x64xf32, #tpu.memory_space<hbm>>
        %dma_wait3A_107 = arith.constant 9480 : i32
        %dma_wait3A_108 = arith.constant 0 : i32
        %dma_wait3A_109 = tpu.memref_slice %arg13[%dma_wait3A_107, %dma_wait3A_108] : memref<10008x64xf32, #tpu.memory_space<vmem_shared>> -> memref<520x64xf32, #tpu.memory_space<vmem_shared>>
        tpu.wait_dma2 semaphore(%run_scoped3A : memref<!tpu.dma_semaphore, #tpu.memory_space<semaphore_mem>>) src(%dma_wait3A_109 : memref<520x64xf32, #tpu.memory_space<vmem_shared>>) dst(%dma_wait3A_106 : memref<520x64xf32, #tpu.memory_space<hbm>>)
        tpu.yield
      }) : () -> ()
    } else {
    }
    %eq3A_92 = arith.constant 0 : i32
    %eq3A_93 = arith.cmpi eq, %arg1, %eq3A_92 : i32
    %convert_element_type3A_94 = arith.extui %eq3A_93 : i1 to i32
    %cond3A_95 = arith.constant 0 : i32
    %cond3A_96 = arith.cmpi ne, %convert_element_type3A_94, %cond3A_95 : i32
    scf.if %cond3A_96 {
      "tpu.region"() ({
        %run_scoped3A = tpu.sem_alloc : memref<!tpu.dma_semaphore, #tpu.memory_space<semaphore_mem>>
        %dma_start3A_97 = arith.constant 0 : i32
        %dma_start3A_98 = tpu.memref_slice %arg8[%arg0, %dma_start3A_97] : memref<2x10000xf32, #tpu.memory_space<hbm>> -> memref<1x10000xf32, #tpu.memory_space<hbm>>
        %dma_start3A_99 = tpu.memref_squeeze %dma_start3A_98 : memref<1x10000xf32, #tpu.memory_space<hbm>> -> memref<10000xf32, #tpu.memory_space<hbm>>
        %dma_start3A_100 = arith.constant 0 : i32
        %dma_start3A_101 = tpu.memref_slice %arg17[%dma_start3A_100] : memref<10008xf32, #tpu.memory_space<vmem_shared>> -> memref<10000xf32, #tpu.memory_space<vmem_shared>>
        tpu.enqueue_dma source(%dma_start3A_101 : memref<10000xf32, #tpu.memory_space<vmem_shared>>) target(%dma_start3A_99 : memref<10000xf32, #tpu.memory_space<hbm>>) target_semaphore(%run_scoped3A : memref<!tpu.dma_semaphore, #tpu.memory_space<semaphore_mem>>)
        %dma_wait3A = arith.constant 0 : i32
        %dma_wait3A_102 = tpu.memref_slice %arg8[%arg0, %dma_wait3A] : memref<2x10000xf32, #tpu.memory_space<hbm>> -> memref<1x10000xf32, #tpu.memory_space<hbm>>
        %dma_wait3A_103 = tpu.memref_squeeze %dma_wait3A_102 : memref<1x10000xf32, #tpu.memory_space<hbm>> -> memref<10000xf32, #tpu.memory_space<hbm>>
        %dma_wait3A_104 = arith.constant 0 : i32
        %dma_wait3A_105 = tpu.memref_slice %arg17[%dma_wait3A_104] : memref<10008xf32, #tpu.memory_space<vmem_shared>> -> memref<10000xf32, #tpu.memory_space<vmem_shared>>
        tpu.wait_dma2 semaphore(%run_scoped3A : memref<!tpu.dma_semaphore, #tpu.memory_space<semaphore_mem>>) src(%dma_wait3A_105 : memref<10000xf32, #tpu.memory_space<vmem_shared>>) dst(%dma_wait3A_103 : memref<10000xf32, #tpu.memory_space<hbm>>)
        tpu.yield
      }) : () -> ()
    } else {
    }
    return
  }
}

#map = affine_map<(d0, d1) -> (0, 0)>
#map1 = affine_map<(d0, d1) -> (0, 0, 0)>
module attributes {stable_mosaic.version = 14 : i64} {
  func.func @body(%arg0: i32, %arg1: i32, %arg2: memref<10000x64xf32, #tpu.memory_space<hbm>>, %arg3: memref<2560x128xi32, #tpu.memory_space<hbm>>, %arg4: memref<2560x128xi32, #tpu.memory_space<hbm>>, %arg5: memref<10008x64xf32, #tpu.memory_space<hbm>>, %arg6: memref<2x10000x64xf32, #tpu.memory_space<hbm>>, %arg7: memref<80x128xi32, #tpu.memory_space<vmem>>, %arg8: memref<80x128xi32, #tpu.memory_space<vmem>>, %arg9: memref<128x64xf32, #tpu.memory_space<vmem>>, %arg10: memref<128x64xf32, #tpu.memory_space<vmem>>, %arg11: memref<10008x64xf32, #tpu.memory_space<vmem_shared>>, %arg12: memref<!tpu.dma_semaphore, #tpu.memory_space<semaphore_mem>>, %arg13: memref<!tpu.dma_semaphore, #tpu.memory_space<semaphore_mem>>) attributes {dimension_semantics = [#tpu.dimension_semantics<core_parallel>, #tpu.dimension_semantics<subcore_parallel>], iteration_bounds = array<i64: 2, 16>, scalar_prefetch = 0 : i64, scratch_operands = 7 : i64, tpu.core_type = #tpu.core_type<sc_vector_subcore>, window_params = [{transform_indices = #map}, {transform_indices = #map}, {transform_indices = #map}, {transform_indices = #map}, {transform_indices = #map1}]} {
    %mul3A = arith.constant 2 : i32
    %mul3A_0 = arith.muli %arg1, %mul3A : i32
    %add3A = arith.addi %mul3A_0, %arg0 : i32
    %mul3A_1 = arith.constant 80 : i32
    %mul3A_2 = arith.muli %add3A, %mul3A_1 : i32
    %multiple_of3A = tpu.assume_multiple %mul3A_2, 8 : i32
    "tpu.region"() ({
      %run_scoped3A = tpu.sem_alloc : memref<!tpu.dma_semaphore, #tpu.memory_space<semaphore_mem>>
      %dma_start3A_41 = arith.constant 0 : i32
      %dma_start3A_42 = tpu.memref_slice %arg3[%multiple_of3A, %dma_start3A_41] : memref<2560x128xi32, #tpu.memory_space<hbm>> -> memref<80x128xi32, #tpu.memory_space<hbm>>
      %dma_start3A_43 = arith.constant 0 : i32
      %dma_start3A_44 = tpu.memref_slice %arg3[%multiple_of3A, %dma_start3A_43] : memref<2560x128xi32, #tpu.memory_space<hbm>> -> memref<80x128xi32, #tpu.memory_space<hbm>>
      tpu.enqueue_dma source(%dma_start3A_44 : memref<80x128xi32, #tpu.memory_space<hbm>>) target(%arg7 : memref<80x128xi32, #tpu.memory_space<vmem>>) target_semaphore(%run_scoped3A : memref<!tpu.dma_semaphore, #tpu.memory_space<semaphore_mem>>)
      %dma_wait3A = arith.constant 0 : i32
      %dma_wait3A_45 = tpu.memref_slice %arg3[%multiple_of3A, %dma_wait3A] : memref<2560x128xi32, #tpu.memory_space<hbm>> -> memref<80x128xi32, #tpu.memory_space<hbm>>
      %dma_wait3A_46 = arith.constant 0 : i32
      %dma_wait3A_47 = tpu.memref_slice %arg3[%multiple_of3A, %dma_wait3A_46] : memref<2560x128xi32, #tpu.memory_space<hbm>> -> memref<80x128xi32, #tpu.memory_space<hbm>>
      tpu.wait_dma2 semaphore(%run_scoped3A : memref<!tpu.dma_semaphore, #tpu.memory_space<semaphore_mem>>) src(%dma_wait3A_47 : memref<80x128xi32, #tpu.memory_space<hbm>>) dst(%arg7 : memref<80x128xi32, #tpu.memory_space<vmem>>)
      tpu.yield
    }) : () -> ()
    "tpu.region"() ({
      %run_scoped3A = tpu.sem_alloc : memref<!tpu.dma_semaphore, #tpu.memory_space<semaphore_mem>>
      %dma_start3A_41 = arith.constant 0 : i32
      %dma_start3A_42 = tpu.memref_slice %arg4[%multiple_of3A, %dma_start3A_41] : memref<2560x128xi32, #tpu.memory_space<hbm>> -> memref<80x128xi32, #tpu.memory_space<hbm>>
      %dma_start3A_43 = arith.constant 0 : i32
      %dma_start3A_44 = tpu.memref_slice %arg4[%multiple_of3A, %dma_start3A_43] : memref<2560x128xi32, #tpu.memory_space<hbm>> -> memref<80x128xi32, #tpu.memory_space<hbm>>
      tpu.enqueue_dma source(%dma_start3A_44 : memref<80x128xi32, #tpu.memory_space<hbm>>) target(%arg8 : memref<80x128xi32, #tpu.memory_space<vmem>>) target_semaphore(%run_scoped3A : memref<!tpu.dma_semaphore, #tpu.memory_space<semaphore_mem>>)
      %dma_wait3A = arith.constant 0 : i32
      %dma_wait3A_45 = tpu.memref_slice %arg4[%multiple_of3A, %dma_wait3A] : memref<2560x128xi32, #tpu.memory_space<hbm>> -> memref<80x128xi32, #tpu.memory_space<hbm>>
      %dma_wait3A_46 = arith.constant 0 : i32
      %dma_wait3A_47 = tpu.memref_slice %arg4[%multiple_of3A, %dma_wait3A_46] : memref<2560x128xi32, #tpu.memory_space<hbm>> -> memref<80x128xi32, #tpu.memory_space<hbm>>
      tpu.wait_dma2 semaphore(%run_scoped3A : memref<!tpu.dma_semaphore, #tpu.memory_space<semaphore_mem>>) src(%dma_wait3A_47 : memref<80x128xi32, #tpu.memory_space<hbm>>) dst(%arg8 : memref<80x128xi32, #tpu.memory_space<vmem>>)
      tpu.yield
    }) : () -> ()
    %mul3A_3 = arith.constant 632 : i32
    %mul3A_4 = arith.muli %arg1, %mul3A_3 : i32
    %multiple_of3A_5 = tpu.assume_multiple %mul3A_4, 8 : i32
    %lt3A = arith.constant 15 : i32
    %lt3A_6 = arith.cmpi slt, %arg1, %lt3A : i32
    %convert_element_type3A = arith.extui %lt3A_6 : i1 to i32
    %cond3A = arith.constant 0 : i32
    %cond3A_7 = arith.cmpi ne, %convert_element_type3A, %cond3A : i32
    scf.if %cond3A_7 {
      "tpu.region"() ({
        %run_scoped3A = tpu.sem_alloc : memref<!tpu.dma_semaphore, #tpu.memory_space<semaphore_mem>>
        %dma_start3A_41 = arith.constant 0 : i32
        %dma_start3A_42 = tpu.memref_slice %arg11[%multiple_of3A_5, %dma_start3A_41] : memref<10008x64xf32, #tpu.memory_space<vmem_shared>> -> memref<632x64xf32, #tpu.memory_space<vmem_shared>>
        %dma_start3A_43 = arith.constant 0 : i32
        %dma_start3A_44 = tpu.memref_slice %arg5[%multiple_of3A_5, %dma_start3A_43] : memref<10008x64xf32, #tpu.memory_space<hbm>> -> memref<632x64xf32, #tpu.memory_space<hbm>>
        tpu.enqueue_dma source(%dma_start3A_44 : memref<632x64xf32, #tpu.memory_space<hbm>>) target(%dma_start3A_42 : memref<632x64xf32, #tpu.memory_space<vmem_shared>>) target_semaphore(%run_scoped3A : memref<!tpu.dma_semaphore, #tpu.memory_space<semaphore_mem>>)
        %dma_wait3A = arith.constant 0 : i32
        %dma_wait3A_45 = tpu.memref_slice %arg11[%multiple_of3A_5, %dma_wait3A] : memref<10008x64xf32, #tpu.memory_space<vmem_shared>> -> memref<632x64xf32, #tpu.memory_space<vmem_shared>>
        %dma_wait3A_46 = arith.constant 0 : i32
        %dma_wait3A_47 = tpu.memref_slice %arg5[%multiple_of3A_5, %dma_wait3A_46] : memref<10008x64xf32, #tpu.memory_space<hbm>> -> memref<632x64xf32, #tpu.memory_space<hbm>>
        tpu.wait_dma2 semaphore(%run_scoped3A : memref<!tpu.dma_semaphore, #tpu.memory_space<semaphore_mem>>) src(%dma_wait3A_47 : memref<632x64xf32, #tpu.memory_space<hbm>>) dst(%dma_wait3A_45 : memref<632x64xf32, #tpu.memory_space<vmem_shared>>)
        tpu.yield
      }) : () -> ()
    } else {
    }
    %eq3A = arith.constant 15 : i32
    %eq3A_8 = arith.cmpi eq, %arg1, %eq3A : i32
    %convert_element_type3A_9 = arith.extui %eq3A_8 : i1 to i32
    %cond3A_10 = arith.constant 0 : i32
    %cond3A_11 = arith.cmpi ne, %convert_element_type3A_9, %cond3A_10 : i32
    scf.if %cond3A_11 {
      "tpu.region"() ({
        %run_scoped3A = tpu.sem_alloc : memref<!tpu.dma_semaphore, #tpu.memory_space<semaphore_mem>>
        %dma_start3A_41 = arith.constant 9480 : i32
        %dma_start3A_42 = arith.constant 0 : i32
        %dma_start3A_43 = tpu.memref_slice %arg11[%dma_start3A_41, %dma_start3A_42] : memref<10008x64xf32, #tpu.memory_space<vmem_shared>> -> memref<528x64xf32, #tpu.memory_space<vmem_shared>>
        %dma_start3A_44 = arith.constant 9480 : i32
        %dma_start3A_45 = arith.constant 0 : i32
        %dma_start3A_46 = tpu.memref_slice %arg5[%dma_start3A_44, %dma_start3A_45] : memref<10008x64xf32, #tpu.memory_space<hbm>> -> memref<528x64xf32, #tpu.memory_space<hbm>>
        tpu.enqueue_dma source(%dma_start3A_46 : memref<528x64xf32, #tpu.memory_space<hbm>>) target(%dma_start3A_43 : memref<528x64xf32, #tpu.memory_space<vmem_shared>>) target_semaphore(%run_scoped3A : memref<!tpu.dma_semaphore, #tpu.memory_space<semaphore_mem>>)
        %dma_wait3A = arith.constant 9480 : i32
        %dma_wait3A_47 = arith.constant 0 : i32
        %dma_wait3A_48 = tpu.memref_slice %arg11[%dma_wait3A, %dma_wait3A_47] : memref<10008x64xf32, #tpu.memory_space<vmem_shared>> -> memref<528x64xf32, #tpu.memory_space<vmem_shared>>
        %dma_wait3A_49 = arith.constant 9480 : i32
        %dma_wait3A_50 = arith.constant 0 : i32
        %dma_wait3A_51 = tpu.memref_slice %arg5[%dma_wait3A_49, %dma_wait3A_50] : memref<10008x64xf32, #tpu.memory_space<hbm>> -> memref<528x64xf32, #tpu.memory_space<hbm>>
        tpu.wait_dma2 semaphore(%run_scoped3A : memref<!tpu.dma_semaphore, #tpu.memory_space<semaphore_mem>>) src(%dma_wait3A_51 : memref<528x64xf32, #tpu.memory_space<hbm>>) dst(%dma_wait3A_48 : memref<528x64xf32, #tpu.memory_space<vmem_shared>>)
        tpu.yield
      }) : () -> ()
    } else {
    }
    %barrier3A = arith.constant 0 : index
    tpu.barrier barrier_id(%barrier3A)
    %dma_start3A = arith.constant 0 : i32
    %dma_start3A_12 = arith.constant 0 : i32
    %dma_start3A_13 = tpu.memref_slice %arg7[%dma_start3A, %dma_start3A_12] : memref<80x128xi32, #tpu.memory_space<vmem>> -> memref<1x128xi32, #tpu.memory_space<vmem>>
    %dma_start3A_14 = tpu.memref_squeeze %dma_start3A_13 : memref<1x128xi32, #tpu.memory_space<vmem>> -> memref<128xi32, #tpu.memory_space<vmem>>
    %dma_start3A_15 = arith.constant 0 : i32
    %dma_start3A_16 = arith.constant 0 : i32
    %dma_start3A_17 = tpu.memref_slice %arg2[%dma_start3A_15, %dma_start3A_16] : memref<10000x64xf32, #tpu.memory_space<hbm>> -> memref<10000x64xf32, #tpu.memory_space<hbm>>
    tpu.enqueue_indirect_dma source(%dma_start3A_17 : memref<10000x64xf32, #tpu.memory_space<hbm>>) target(%arg9 : memref<128x64xf32, #tpu.memory_space<vmem>>) offsets(%dma_start3A_14 : memref<128xi32, #tpu.memory_space<vmem>>) semaphore(%arg12 : memref<!tpu.dma_semaphore, #tpu.memory_space<semaphore_mem>>)
    %dma_start3A_18 = arith.constant 1 : i32
    %dma_start3A_19 = arith.constant 0 : i32
    %dma_start3A_20 = tpu.memref_slice %arg7[%dma_start3A_18, %dma_start3A_19] : memref<80x128xi32, #tpu.memory_space<vmem>> -> memref<1x128xi32, #tpu.memory_space<vmem>>
    %dma_start3A_21 = tpu.memref_squeeze %dma_start3A_20 : memref<1x128xi32, #tpu.memory_space<vmem>> -> memref<128xi32, #tpu.memory_space<vmem>>
    %dma_start3A_22 = arith.constant 0 : i32
    %dma_start3A_23 = arith.constant 0 : i32
    %dma_start3A_24 = tpu.memref_slice %arg2[%dma_start3A_22, %dma_start3A_23] : memref<10000x64xf32, #tpu.memory_space<hbm>> -> memref<10000x64xf32, #tpu.memory_space<hbm>>
    tpu.enqueue_indirect_dma source(%dma_start3A_24 : memref<10000x64xf32, #tpu.memory_space<hbm>>) target(%arg10 : memref<128x64xf32, #tpu.memory_space<vmem>>) offsets(%dma_start3A_21 : memref<128xi32, #tpu.memory_space<vmem>>) semaphore(%arg13 : memref<!tpu.dma_semaphore, #tpu.memory_space<semaphore_mem>>)
    %scan3A = arith.constant 0 : i32
    %scan3A_25 = arith.constant 0 : i32
    %scan3A_26 = arith.constant 40 : i32
    %scan3A_27 = arith.addi %scan3A_25, %scan3A_26 : i32
    %scan3A_28 = arith.constant 1 : i32
    scf.for %scan3A_41 = %scan3A_25 to %scan3A_27 step %scan3A_28  : i32 {
      %mul3A_42 = arith.constant 2 : i32
      %mul3A_43 = arith.muli %scan3A_41, %mul3A_42 : i32
      %dma_wait3A = arith.constant 0 : i32
      %dma_wait3A_44 = arith.constant 0 : i32
      %dma_wait3A_45 = tpu.memref_slice %arg7[%dma_wait3A, %dma_wait3A_44] : memref<80x128xi32, #tpu.memory_space<vmem>> -> memref<1x128xi32, #tpu.memory_space<vmem>>
      %dma_wait3A_46 = tpu.memref_squeeze %dma_wait3A_45 : memref<1x128xi32, #tpu.memory_space<vmem>> -> memref<128xi32, #tpu.memory_space<vmem>>
      %dma_wait3A_47 = arith.constant 0 : i32
      %dma_wait3A_48 = arith.constant 0 : i32
      %dma_wait3A_49 = tpu.memref_slice %arg2[%dma_wait3A_47, %dma_wait3A_48] : memref<10000x64xf32, #tpu.memory_space<hbm>> -> memref<10000x64xf32, #tpu.memory_space<hbm>>
      tpu.wait_indirect_dma semaphore(%arg12 : memref<!tpu.dma_semaphore, #tpu.memory_space<semaphore_mem>>) src(%dma_wait3A_49 : memref<10000x64xf32, #tpu.memory_space<hbm>>) dst(%arg9 : memref<128x64xf32, #tpu.memory_space<vmem>>)
      "tpu.region"() ({
        %run_scoped3A = tpu.sem_alloc : memref<!tpu.dma_semaphore, #tpu.memory_space<semaphore_mem>>
        %dma_start3A_69 = arith.constant 0 : i32
        %dma_start3A_70 = tpu.memref_slice %arg8[%mul3A_43, %dma_start3A_69] : memref<80x128xi32, #tpu.memory_space<vmem>> -> memref<1x128xi32, #tpu.memory_space<vmem>>
        %dma_start3A_71 = tpu.memref_squeeze %dma_start3A_70 : memref<1x128xi32, #tpu.memory_space<vmem>> -> memref<128xi32, #tpu.memory_space<vmem>>
        %dma_start3A_72 = arith.constant 0 : i32
        %dma_start3A_73 = arith.constant 0 : i32
        %dma_start3A_74 = tpu.memref_slice %arg11[%dma_start3A_72, %dma_start3A_73] : memref<10008x64xf32, #tpu.memory_space<vmem_shared>> -> memref<10008x64xf32, #tpu.memory_space<vmem_shared>>
        tpu.enqueue_indirect_dma source(%arg9 : memref<128x64xf32, #tpu.memory_space<vmem>>) target(%dma_start3A_74 : memref<10008x64xf32, #tpu.memory_space<vmem_shared>>) offsets(%dma_start3A_71 : memref<128xi32, #tpu.memory_space<vmem>>) semaphore(%run_scoped3A : memref<!tpu.dma_semaphore, #tpu.memory_space<semaphore_mem>>) {add = true}
        %dma_wait3A_75 = arith.constant 0 : i32
        %dma_wait3A_76 = tpu.memref_slice %arg8[%mul3A_43, %dma_wait3A_75] : memref<80x128xi32, #tpu.memory_space<vmem>> -> memref<1x128xi32, #tpu.memory_space<vmem>>
        %dma_wait3A_77 = tpu.memref_squeeze %dma_wait3A_76 : memref<1x128xi32, #tpu.memory_space<vmem>> -> memref<128xi32, #tpu.memory_space<vmem>>
        %dma_wait3A_78 = arith.constant 0 : i32
        %dma_wait3A_79 = arith.constant 0 : i32
        %dma_wait3A_80 = tpu.memref_slice %arg11[%dma_wait3A_78, %dma_wait3A_79] : memref<10008x64xf32, #tpu.memory_space<vmem_shared>> -> memref<10008x64xf32, #tpu.memory_space<vmem_shared>>
        tpu.wait_indirect_dma semaphore(%run_scoped3A : memref<!tpu.dma_semaphore, #tpu.memory_space<semaphore_mem>>) src(%arg9 : memref<128x64xf32, #tpu.memory_space<vmem>>) dst(%dma_wait3A_80 : memref<10008x64xf32, #tpu.memory_space<vmem_shared>>)
        tpu.yield
      }) : () -> ()
      %lt3A_50 = arith.constant 39 : i32
      %lt3A_51 = arith.cmpi slt, %scan3A_41, %lt3A_50 : i32
      %convert_element_type3A_52 = arith.extui %lt3A_51 : i1 to i32
      %cond3A_53 = arith.constant 0 : i32
      %cond3A_54 = arith.cmpi ne, %convert_element_type3A_52, %cond3A_53 : i32
      scf.if %cond3A_54 {
        %add3A_69 = arith.constant 2 : i32
        %add3A_70 = arith.addi %mul3A_43, %add3A_69 : i32
        %dma_start3A_71 = arith.constant 0 : i32
        %dma_start3A_72 = tpu.memref_slice %arg7[%add3A_70, %dma_start3A_71] : memref<80x128xi32, #tpu.memory_space<vmem>> -> memref<1x128xi32, #tpu.memory_space<vmem>>
        %dma_start3A_73 = tpu.memref_squeeze %dma_start3A_72 : memref<1x128xi32, #tpu.memory_space<vmem>> -> memref<128xi32, #tpu.memory_space<vmem>>
        %dma_start3A_74 = arith.constant 0 : i32
        %dma_start3A_75 = arith.constant 0 : i32
        %dma_start3A_76 = tpu.memref_slice %arg2[%dma_start3A_74, %dma_start3A_75] : memref<10000x64xf32, #tpu.memory_space<hbm>> -> memref<10000x64xf32, #tpu.memory_space<hbm>>
        tpu.enqueue_indirect_dma source(%dma_start3A_76 : memref<10000x64xf32, #tpu.memory_space<hbm>>) target(%arg9 : memref<128x64xf32, #tpu.memory_space<vmem>>) offsets(%dma_start3A_73 : memref<128xi32, #tpu.memory_space<vmem>>) semaphore(%arg12 : memref<!tpu.dma_semaphore, #tpu.memory_space<semaphore_mem>>)
      } else {
      }
      %dma_wait3A_55 = arith.constant 0 : i32
      %dma_wait3A_56 = arith.constant 0 : i32
      %dma_wait3A_57 = tpu.memref_slice %arg7[%dma_wait3A_55, %dma_wait3A_56] : memref<80x128xi32, #tpu.memory_space<vmem>> -> memref<1x128xi32, #tpu.memory_space<vmem>>
      %dma_wait3A_58 = tpu.memref_squeeze %dma_wait3A_57 : memref<1x128xi32, #tpu.memory_space<vmem>> -> memref<128xi32, #tpu.memory_space<vmem>>
      %dma_wait3A_59 = arith.constant 0 : i32
      %dma_wait3A_60 = arith.constant 0 : i32
      %dma_wait3A_61 = tpu.memref_slice %arg2[%dma_wait3A_59, %dma_wait3A_60] : memref<10000x64xf32, #tpu.memory_space<hbm>> -> memref<10000x64xf32, #tpu.memory_space<hbm>>
      tpu.wait_indirect_dma semaphore(%arg13 : memref<!tpu.dma_semaphore, #tpu.memory_space<semaphore_mem>>) src(%dma_wait3A_61 : memref<10000x64xf32, #tpu.memory_space<hbm>>) dst(%arg10 : memref<128x64xf32, #tpu.memory_space<vmem>>)
      %add3A_62 = arith.constant 1 : i32
      %add3A_63 = arith.addi %mul3A_43, %add3A_62 : i32
      "tpu.region"() ({
        %run_scoped3A = tpu.sem_alloc : memref<!tpu.dma_semaphore, #tpu.memory_space<semaphore_mem>>
        %dma_start3A_69 = arith.constant 0 : i32
        %dma_start3A_70 = tpu.memref_slice %arg8[%add3A_63, %dma_start3A_69] : memref<80x128xi32, #tpu.memory_space<vmem>> -> memref<1x128xi32, #tpu.memory_space<vmem>>
        %dma_start3A_71 = tpu.memref_squeeze %dma_start3A_70 : memref<1x128xi32, #tpu.memory_space<vmem>> -> memref<128xi32, #tpu.memory_space<vmem>>
        %dma_start3A_72 = arith.constant 0 : i32
        %dma_start3A_73 = arith.constant 0 : i32
        %dma_start3A_74 = tpu.memref_slice %arg11[%dma_start3A_72, %dma_start3A_73] : memref<10008x64xf32, #tpu.memory_space<vmem_shared>> -> memref<10008x64xf32, #tpu.memory_space<vmem_shared>>
        tpu.enqueue_indirect_dma source(%arg10 : memref<128x64xf32, #tpu.memory_space<vmem>>) target(%dma_start3A_74 : memref<10008x64xf32, #tpu.memory_space<vmem_shared>>) offsets(%dma_start3A_71 : memref<128xi32, #tpu.memory_space<vmem>>) semaphore(%run_scoped3A : memref<!tpu.dma_semaphore, #tpu.memory_space<semaphore_mem>>) {add = true}
        %dma_wait3A_75 = arith.constant 0 : i32
        %dma_wait3A_76 = tpu.memref_slice %arg8[%add3A_63, %dma_wait3A_75] : memref<80x128xi32, #tpu.memory_space<vmem>> -> memref<1x128xi32, #tpu.memory_space<vmem>>
        %dma_wait3A_77 = tpu.memref_squeeze %dma_wait3A_76 : memref<1x128xi32, #tpu.memory_space<vmem>> -> memref<128xi32, #tpu.memory_space<vmem>>
        %dma_wait3A_78 = arith.constant 0 : i32
        %dma_wait3A_79 = arith.constant 0 : i32
        %dma_wait3A_80 = tpu.memref_slice %arg11[%dma_wait3A_78, %dma_wait3A_79] : memref<10008x64xf32, #tpu.memory_space<vmem_shared>> -> memref<10008x64xf32, #tpu.memory_space<vmem_shared>>
        tpu.wait_indirect_dma semaphore(%run_scoped3A : memref<!tpu.dma_semaphore, #tpu.memory_space<semaphore_mem>>) src(%arg10 : memref<128x64xf32, #tpu.memory_space<vmem>>) dst(%dma_wait3A_80 : memref<10008x64xf32, #tpu.memory_space<vmem_shared>>)
        tpu.yield
      }) : () -> ()
      %lt3A_64 = arith.constant 39 : i32
      %lt3A_65 = arith.cmpi slt, %scan3A_41, %lt3A_64 : i32
      %convert_element_type3A_66 = arith.extui %lt3A_65 : i1 to i32
      %cond3A_67 = arith.constant 0 : i32
      %cond3A_68 = arith.cmpi ne, %convert_element_type3A_66, %cond3A_67 : i32
      scf.if %cond3A_68 {
        %add3A_69 = arith.constant 3 : i32
        %add3A_70 = arith.addi %mul3A_43, %add3A_69 : i32
        %dma_start3A_71 = arith.constant 0 : i32
        %dma_start3A_72 = tpu.memref_slice %arg7[%add3A_70, %dma_start3A_71] : memref<80x128xi32, #tpu.memory_space<vmem>> -> memref<1x128xi32, #tpu.memory_space<vmem>>
        %dma_start3A_73 = tpu.memref_squeeze %dma_start3A_72 : memref<1x128xi32, #tpu.memory_space<vmem>> -> memref<128xi32, #tpu.memory_space<vmem>>
        %dma_start3A_74 = arith.constant 0 : i32
        %dma_start3A_75 = arith.constant 0 : i32
        %dma_start3A_76 = tpu.memref_slice %arg2[%dma_start3A_74, %dma_start3A_75] : memref<10000x64xf32, #tpu.memory_space<hbm>> -> memref<10000x64xf32, #tpu.memory_space<hbm>>
        tpu.enqueue_indirect_dma source(%dma_start3A_76 : memref<10000x64xf32, #tpu.memory_space<hbm>>) target(%arg10 : memref<128x64xf32, #tpu.memory_space<vmem>>) offsets(%dma_start3A_73 : memref<128xi32, #tpu.memory_space<vmem>>) semaphore(%arg13 : memref<!tpu.dma_semaphore, #tpu.memory_space<semaphore_mem>>)
      } else {
      }
    }
    %scan3A_29 = arith.constant 40 : i32
    %barrier3A_30 = arith.constant 0 : index
    tpu.barrier barrier_id(%barrier3A_30)
    %lt3A_31 = arith.constant 15 : i32
    %lt3A_32 = arith.cmpi slt, %arg1, %lt3A_31 : i32
    %convert_element_type3A_33 = arith.extui %lt3A_32 : i1 to i32
    %cond3A_34 = arith.constant 0 : i32
    %cond3A_35 = arith.cmpi ne, %convert_element_type3A_33, %cond3A_34 : i32
    scf.if %cond3A_35 {
      "tpu.region"() ({
        %run_scoped3A = tpu.sem_alloc : memref<!tpu.dma_semaphore, #tpu.memory_space<semaphore_mem>>
        %dma_start3A_41 = arith.constant 0 : i32
        %dma_start3A_42 = tpu.memref_slice %arg6[%arg0, %multiple_of3A_5, %dma_start3A_41] : memref<2x10000x64xf32, #tpu.memory_space<hbm>> -> memref<1x632x64xf32, #tpu.memory_space<hbm>>
        %dma_start3A_43 = tpu.memref_squeeze %dma_start3A_42 : memref<1x632x64xf32, #tpu.memory_space<hbm>> -> memref<632x64xf32, #tpu.memory_space<hbm>>
        %dma_start3A_44 = arith.constant 0 : i32
        %dma_start3A_45 = tpu.memref_slice %arg11[%multiple_of3A_5, %dma_start3A_44] : memref<10008x64xf32, #tpu.memory_space<vmem_shared>> -> memref<632x64xf32, #tpu.memory_space<vmem_shared>>
        tpu.enqueue_dma source(%dma_start3A_45 : memref<632x64xf32, #tpu.memory_space<vmem_shared>>) target(%dma_start3A_43 : memref<632x64xf32, #tpu.memory_space<hbm>>) target_semaphore(%run_scoped3A : memref<!tpu.dma_semaphore, #tpu.memory_space<semaphore_mem>>)
        %dma_wait3A = arith.constant 0 : i32
        %dma_wait3A_46 = tpu.memref_slice %arg6[%arg0, %multiple_of3A_5, %dma_wait3A] : memref<2x10000x64xf32, #tpu.memory_space<hbm>> -> memref<1x632x64xf32, #tpu.memory_space<hbm>>
        %dma_wait3A_47 = tpu.memref_squeeze %dma_wait3A_46 : memref<1x632x64xf32, #tpu.memory_space<hbm>> -> memref<632x64xf32, #tpu.memory_space<hbm>>
        %dma_wait3A_48 = arith.constant 0 : i32
        %dma_wait3A_49 = tpu.memref_slice %arg11[%multiple_of3A_5, %dma_wait3A_48] : memref<10008x64xf32, #tpu.memory_space<vmem_shared>> -> memref<632x64xf32, #tpu.memory_space<vmem_shared>>
        tpu.wait_dma2 semaphore(%run_scoped3A : memref<!tpu.dma_semaphore, #tpu.memory_space<semaphore_mem>>) src(%dma_wait3A_49 : memref<632x64xf32, #tpu.memory_space<vmem_shared>>) dst(%dma_wait3A_47 : memref<632x64xf32, #tpu.memory_space<hbm>>)
        tpu.yield
      }) : () -> ()
    } else {
    }
    %eq3A_36 = arith.constant 15 : i32
    %eq3A_37 = arith.cmpi eq, %arg1, %eq3A_36 : i32
    %convert_element_type3A_38 = arith.extui %eq3A_37 : i1 to i32
    %cond3A_39 = arith.constant 0 : i32
    %cond3A_40 = arith.cmpi ne, %convert_element_type3A_38, %cond3A_39 : i32
    scf.if %cond3A_40 {
      "tpu.region"() ({
        %run_scoped3A = tpu.sem_alloc : memref<!tpu.dma_semaphore, #tpu.memory_space<semaphore_mem>>
        %dma_start3A_41 = arith.constant 9480 : i32
        %dma_start3A_42 = arith.constant 0 : i32
        %dma_start3A_43 = tpu.memref_slice %arg6[%arg0, %dma_start3A_41, %dma_start3A_42] : memref<2x10000x64xf32, #tpu.memory_space<hbm>> -> memref<1x520x64xf32, #tpu.memory_space<hbm>>
        %dma_start3A_44 = tpu.memref_squeeze %dma_start3A_43 : memref<1x520x64xf32, #tpu.memory_space<hbm>> -> memref<520x64xf32, #tpu.memory_space<hbm>>
        %dma_start3A_45 = arith.constant 9480 : i32
        %dma_start3A_46 = arith.constant 0 : i32
        %dma_start3A_47 = tpu.memref_slice %arg11[%dma_start3A_45, %dma_start3A_46] : memref<10008x64xf32, #tpu.memory_space<vmem_shared>> -> memref<520x64xf32, #tpu.memory_space<vmem_shared>>
        tpu.enqueue_dma source(%dma_start3A_47 : memref<520x64xf32, #tpu.memory_space<vmem_shared>>) target(%dma_start3A_44 : memref<520x64xf32, #tpu.memory_space<hbm>>) target_semaphore(%run_scoped3A : memref<!tpu.dma_semaphore, #tpu.memory_space<semaphore_mem>>)
        %dma_wait3A = arith.constant 9480 : i32
        %dma_wait3A_48 = arith.constant 0 : i32
        %dma_wait3A_49 = tpu.memref_slice %arg6[%arg0, %dma_wait3A, %dma_wait3A_48] : memref<2x10000x64xf32, #tpu.memory_space<hbm>> -> memref<1x520x64xf32, #tpu.memory_space<hbm>>
        %dma_wait3A_50 = tpu.memref_squeeze %dma_wait3A_49 : memref<1x520x64xf32, #tpu.memory_space<hbm>> -> memref<520x64xf32, #tpu.memory_space<hbm>>
        %dma_wait3A_51 = arith.constant 9480 : i32
        %dma_wait3A_52 = arith.constant 0 : i32
        %dma_wait3A_53 = tpu.memref_slice %arg11[%dma_wait3A_51, %dma_wait3A_52] : memref<10008x64xf32, #tpu.memory_space<vmem_shared>> -> memref<520x64xf32, #tpu.memory_space<vmem_shared>>
        tpu.wait_dma2 semaphore(%run_scoped3A : memref<!tpu.dma_semaphore, #tpu.memory_space<semaphore_mem>>) src(%dma_wait3A_53 : memref<520x64xf32, #tpu.memory_space<vmem_shared>>) dst(%dma_wait3A_50 : memref<520x64xf32, #tpu.memory_space<hbm>>)
        tpu.yield
      }) : () -> ()
    } else {
    }
    return
  }
}

#map = affine_map<(d0, d1) -> (0, 0)>
#map1 = affine_map<(d0, d1) -> (0, 0, 0)>
module attributes {stable_mosaic.version = 14 : i64} {
  func.func @body(%arg0: i32, %arg1: i32, %arg2: memref<10000x64xf32, #tpu.memory_space<hbm>>, %arg3: memref<2560x128xi32, #tpu.memory_space<hbm>>, %arg4: memref<2560x128xi32, #tpu.memory_space<hbm>>, %arg5: memref<10008x64xf32, #tpu.memory_space<hbm>>, %arg6: memref<2x10000x64xf32, #tpu.memory_space<hbm>>, %arg7: memref<80x128xi32, #tpu.memory_space<vmem>>, %arg8: memref<80x128xi32, #tpu.memory_space<vmem>>, %arg9: memref<128x64xf32, #tpu.memory_space<vmem>>, %arg10: memref<128x64xf32, #tpu.memory_space<vmem>>, %arg11: memref<10008x64xf32, #tpu.memory_space<vmem_shared>>, %arg12: memref<!tpu.dma_semaphore, #tpu.memory_space<semaphore_mem>>, %arg13: memref<!tpu.dma_semaphore, #tpu.memory_space<semaphore_mem>>) attributes {dimension_semantics = [#tpu.dimension_semantics<core_parallel>, #tpu.dimension_semantics<subcore_parallel>], iteration_bounds = array<i64: 2, 16>, scalar_prefetch = 0 : i64, scratch_operands = 7 : i64, tpu.core_type = #tpu.core_type<sc_vector_subcore>, window_params = [{transform_indices = #map}, {transform_indices = #map}, {transform_indices = #map}, {transform_indices = #map}, {transform_indices = #map1}]} {
    %mul3A = arith.constant 2 : i32
    %mul3A_0 = arith.muli %arg1, %mul3A : i32
    %add3A = arith.addi %mul3A_0, %arg0 : i32
    %mul3A_1 = arith.constant 80 : i32
    %mul3A_2 = arith.muli %add3A, %mul3A_1 : i32
    %multiple_of3A = tpu.assume_multiple %mul3A_2, 8 : i32
    "tpu.region"() ({
      %run_scoped3A = tpu.sem_alloc : memref<!tpu.dma_semaphore, #tpu.memory_space<semaphore_mem>>
      %dma_start3A_41 = arith.constant 0 : i32
      %dma_start3A_42 = tpu.memref_slice %arg3[%multiple_of3A, %dma_start3A_41] : memref<2560x128xi32, #tpu.memory_space<hbm>> -> memref<80x128xi32, #tpu.memory_space<hbm>>
      %dma_start3A_43 = arith.constant 0 : i32
      %dma_start3A_44 = tpu.memref_slice %arg3[%multiple_of3A, %dma_start3A_43] : memref<2560x128xi32, #tpu.memory_space<hbm>> -> memref<80x128xi32, #tpu.memory_space<hbm>>
      tpu.enqueue_dma source(%dma_start3A_44 : memref<80x128xi32, #tpu.memory_space<hbm>>) target(%arg7 : memref<80x128xi32, #tpu.memory_space<vmem>>) target_semaphore(%run_scoped3A : memref<!tpu.dma_semaphore, #tpu.memory_space<semaphore_mem>>)
      %dma_wait3A = arith.constant 0 : i32
      %dma_wait3A_45 = tpu.memref_slice %arg3[%multiple_of3A, %dma_wait3A] : memref<2560x128xi32, #tpu.memory_space<hbm>> -> memref<80x128xi32, #tpu.memory_space<hbm>>
      %dma_wait3A_46 = arith.constant 0 : i32
      %dma_wait3A_47 = tpu.memref_slice %arg3[%multiple_of3A, %dma_wait3A_46] : memref<2560x128xi32, #tpu.memory_space<hbm>> -> memref<80x128xi32, #tpu.memory_space<hbm>>
      tpu.wait_dma2 semaphore(%run_scoped3A : memref<!tpu.dma_semaphore, #tpu.memory_space<semaphore_mem>>) src(%dma_wait3A_47 : memref<80x128xi32, #tpu.memory_space<hbm>>) dst(%arg7 : memref<80x128xi32, #tpu.memory_space<vmem>>)
      tpu.yield
    }) : () -> ()
    "tpu.region"() ({
      %run_scoped3A = tpu.sem_alloc : memref<!tpu.dma_semaphore, #tpu.memory_space<semaphore_mem>>
      %dma_start3A_41 = arith.constant 0 : i32
      %dma_start3A_42 = tpu.memref_slice %arg4[%multiple_of3A, %dma_start3A_41] : memref<2560x128xi32, #tpu.memory_space<hbm>> -> memref<80x128xi32, #tpu.memory_space<hbm>>
      %dma_start3A_43 = arith.constant 0 : i32
      %dma_start3A_44 = tpu.memref_slice %arg4[%multiple_of3A, %dma_start3A_43] : memref<2560x128xi32, #tpu.memory_space<hbm>> -> memref<80x128xi32, #tpu.memory_space<hbm>>
      tpu.enqueue_dma source(%dma_start3A_44 : memref<80x128xi32, #tpu.memory_space<hbm>>) target(%arg8 : memref<80x128xi32, #tpu.memory_space<vmem>>) target_semaphore(%run_scoped3A : memref<!tpu.dma_semaphore, #tpu.memory_space<semaphore_mem>>)
      %dma_wait3A = arith.constant 0 : i32
      %dma_wait3A_45 = tpu.memref_slice %arg4[%multiple_of3A, %dma_wait3A] : memref<2560x128xi32, #tpu.memory_space<hbm>> -> memref<80x128xi32, #tpu.memory_space<hbm>>
      %dma_wait3A_46 = arith.constant 0 : i32
      %dma_wait3A_47 = tpu.memref_slice %arg4[%multiple_of3A, %dma_wait3A_46] : memref<2560x128xi32, #tpu.memory_space<hbm>> -> memref<80x128xi32, #tpu.memory_space<hbm>>
      tpu.wait_dma2 semaphore(%run_scoped3A : memref<!tpu.dma_semaphore, #tpu.memory_space<semaphore_mem>>) src(%dma_wait3A_47 : memref<80x128xi32, #tpu.memory_space<hbm>>) dst(%arg8 : memref<80x128xi32, #tpu.memory_space<vmem>>)
      tpu.yield
    }) : () -> ()
    %mul3A_3 = arith.constant 632 : i32
    %mul3A_4 = arith.muli %arg1, %mul3A_3 : i32
    %multiple_of3A_5 = tpu.assume_multiple %mul3A_4, 8 : i32
    %lt3A = arith.constant 15 : i32
    %lt3A_6 = arith.cmpi slt, %arg1, %lt3A : i32
    %convert_element_type3A = arith.extui %lt3A_6 : i1 to i32
    %cond3A = arith.constant 0 : i32
    %cond3A_7 = arith.cmpi ne, %convert_element_type3A, %cond3A : i32
    scf.if %cond3A_7 {
      "tpu.region"() ({
        %run_scoped3A = tpu.sem_alloc : memref<!tpu.dma_semaphore, #tpu.memory_space<semaphore_mem>>
        %dma_start3A_41 = arith.constant 0 : i32
        %dma_start3A_42 = tpu.memref_slice %arg11[%multiple_of3A_5, %dma_start3A_41] : memref<10008x64xf32, #tpu.memory_space<vmem_shared>> -> memref<632x64xf32, #tpu.memory_space<vmem_shared>>
        %dma_start3A_43 = arith.constant 0 : i32
        %dma_start3A_44 = tpu.memref_slice %arg5[%multiple_of3A_5, %dma_start3A_43] : memref<10008x64xf32, #tpu.memory_space<hbm>> -> memref<632x64xf32, #tpu.memory_space<hbm>>
        tpu.enqueue_dma source(%dma_start3A_44 : memref<632x64xf32, #tpu.memory_space<hbm>>) target(%dma_start3A_42 : memref<632x64xf32, #tpu.memory_space<vmem_shared>>) target_semaphore(%run_scoped3A : memref<!tpu.dma_semaphore, #tpu.memory_space<semaphore_mem>>)
        %dma_wait3A = arith.constant 0 : i32
        %dma_wait3A_45 = tpu.memref_slice %arg11[%multiple_of3A_5, %dma_wait3A] : memref<10008x64xf32, #tpu.memory_space<vmem_shared>> -> memref<632x64xf32, #tpu.memory_space<vmem_shared>>
        %dma_wait3A_46 = arith.constant 0 : i32
        %dma_wait3A_47 = tpu.memref_slice %arg5[%multiple_of3A_5, %dma_wait3A_46] : memref<10008x64xf32, #tpu.memory_space<hbm>> -> memref<632x64xf32, #tpu.memory_space<hbm>>
        tpu.wait_dma2 semaphore(%run_scoped3A : memref<!tpu.dma_semaphore, #tpu.memory_space<semaphore_mem>>) src(%dma_wait3A_47 : memref<632x64xf32, #tpu.memory_space<hbm>>) dst(%dma_wait3A_45 : memref<632x64xf32, #tpu.memory_space<vmem_shared>>)
        tpu.yield
      }) : () -> ()
    } else {
    }
    %eq3A = arith.constant 15 : i32
    %eq3A_8 = arith.cmpi eq, %arg1, %eq3A : i32
    %convert_element_type3A_9 = arith.extui %eq3A_8 : i1 to i32
    %cond3A_10 = arith.constant 0 : i32
    %cond3A_11 = arith.cmpi ne, %convert_element_type3A_9, %cond3A_10 : i32
    scf.if %cond3A_11 {
      "tpu.region"() ({
        %run_scoped3A = tpu.sem_alloc : memref<!tpu.dma_semaphore, #tpu.memory_space<semaphore_mem>>
        %dma_start3A_41 = arith.constant 9480 : i32
        %dma_start3A_42 = arith.constant 0 : i32
        %dma_start3A_43 = tpu.memref_slice %arg11[%dma_start3A_41, %dma_start3A_42] : memref<10008x64xf32, #tpu.memory_space<vmem_shared>> -> memref<528x64xf32, #tpu.memory_space<vmem_shared>>
        %dma_start3A_44 = arith.constant 9480 : i32
        %dma_start3A_45 = arith.constant 0 : i32
        %dma_start3A_46 = tpu.memref_slice %arg5[%dma_start3A_44, %dma_start3A_45] : memref<10008x64xf32, #tpu.memory_space<hbm>> -> memref<528x64xf32, #tpu.memory_space<hbm>>
        tpu.enqueue_dma source(%dma_start3A_46 : memref<528x64xf32, #tpu.memory_space<hbm>>) target(%dma_start3A_43 : memref<528x64xf32, #tpu.memory_space<vmem_shared>>) target_semaphore(%run_scoped3A : memref<!tpu.dma_semaphore, #tpu.memory_space<semaphore_mem>>)
        %dma_wait3A = arith.constant 9480 : i32
        %dma_wait3A_47 = arith.constant 0 : i32
        %dma_wait3A_48 = tpu.memref_slice %arg11[%dma_wait3A, %dma_wait3A_47] : memref<10008x64xf32, #tpu.memory_space<vmem_shared>> -> memref<528x64xf32, #tpu.memory_space<vmem_shared>>
        %dma_wait3A_49 = arith.constant 9480 : i32
        %dma_wait3A_50 = arith.constant 0 : i32
        %dma_wait3A_51 = tpu.memref_slice %arg5[%dma_wait3A_49, %dma_wait3A_50] : memref<10008x64xf32, #tpu.memory_space<hbm>> -> memref<528x64xf32, #tpu.memory_space<hbm>>
        tpu.wait_dma2 semaphore(%run_scoped3A : memref<!tpu.dma_semaphore, #tpu.memory_space<semaphore_mem>>) src(%dma_wait3A_51 : memref<528x64xf32, #tpu.memory_space<hbm>>) dst(%dma_wait3A_48 : memref<528x64xf32, #tpu.memory_space<vmem_shared>>)
        tpu.yield
      }) : () -> ()
    } else {
    }
    %barrier3A = arith.constant 0 : index
    tpu.barrier barrier_id(%barrier3A)
    %dma_start3A = arith.constant 0 : i32
    %dma_start3A_12 = arith.constant 0 : i32
    %dma_start3A_13 = tpu.memref_slice %arg7[%dma_start3A, %dma_start3A_12] : memref<80x128xi32, #tpu.memory_space<vmem>> -> memref<1x128xi32, #tpu.memory_space<vmem>>
    %dma_start3A_14 = tpu.memref_squeeze %dma_start3A_13 : memref<1x128xi32, #tpu.memory_space<vmem>> -> memref<128xi32, #tpu.memory_space<vmem>>
    %dma_start3A_15 = arith.constant 0 : i32
    %dma_start3A_16 = arith.constant 0 : i32
    %dma_start3A_17 = tpu.memref_slice %arg2[%dma_start3A_15, %dma_start3A_16] : memref<10000x64xf32, #tpu.memory_space<hbm>> -> memref<10000x64xf32, #tpu.memory_space<hbm>>
    tpu.enqueue_indirect_dma source(%dma_start3A_17 : memref<10000x64xf32, #tpu.memory_space<hbm>>) target(%arg9 : memref<128x64xf32, #tpu.memory_space<vmem>>) offsets(%dma_start3A_14 : memref<128xi32, #tpu.memory_space<vmem>>) semaphore(%arg12 : memref<!tpu.dma_semaphore, #tpu.memory_space<semaphore_mem>>)
    %dma_start3A_18 = arith.constant 1 : i32
    %dma_start3A_19 = arith.constant 0 : i32
    %dma_start3A_20 = tpu.memref_slice %arg7[%dma_start3A_18, %dma_start3A_19] : memref<80x128xi32, #tpu.memory_space<vmem>> -> memref<1x128xi32, #tpu.memory_space<vmem>>
    %dma_start3A_21 = tpu.memref_squeeze %dma_start3A_20 : memref<1x128xi32, #tpu.memory_space<vmem>> -> memref<128xi32, #tpu.memory_space<vmem>>
    %dma_start3A_22 = arith.constant 0 : i32
    %dma_start3A_23 = arith.constant 0 : i32
    %dma_start3A_24 = tpu.memref_slice %arg2[%dma_start3A_22, %dma_start3A_23] : memref<10000x64xf32, #tpu.memory_space<hbm>> -> memref<10000x64xf32, #tpu.memory_space<hbm>>
    tpu.enqueue_indirect_dma source(%dma_start3A_24 : memref<10000x64xf32, #tpu.memory_space<hbm>>) target(%arg10 : memref<128x64xf32, #tpu.memory_space<vmem>>) offsets(%dma_start3A_21 : memref<128xi32, #tpu.memory_space<vmem>>) semaphore(%arg13 : memref<!tpu.dma_semaphore, #tpu.memory_space<semaphore_mem>>)
    %scan3A = arith.constant 0 : i32
    %scan3A_25 = arith.constant 0 : i32
    %scan3A_26 = arith.constant 40 : i32
    %scan3A_27 = arith.addi %scan3A_25, %scan3A_26 : i32
    %scan3A_28 = arith.constant 1 : i32
    scf.for %scan3A_41 = %scan3A_25 to %scan3A_27 step %scan3A_28  : i32 {
      %mul3A_42 = arith.constant 2 : i32
      %mul3A_43 = arith.muli %scan3A_41, %mul3A_42 : i32
      %dma_wait3A = arith.constant 0 : i32
      %dma_wait3A_44 = arith.constant 0 : i32
      %dma_wait3A_45 = tpu.memref_slice %arg7[%dma_wait3A, %dma_wait3A_44] : memref<80x128xi32, #tpu.memory_space<vmem>> -> memref<1x128xi32, #tpu.memory_space<vmem>>
      %dma_wait3A_46 = tpu.memref_squeeze %dma_wait3A_45 : memref<1x128xi32, #tpu.memory_space<vmem>> -> memref<128xi32, #tpu.memory_space<vmem>>
      %dma_wait3A_47 = arith.constant 0 : i32
      %dma_wait3A_48 = arith.constant 0 : i32
      %dma_wait3A_49 = tpu.memref_slice %arg2[%dma_wait3A_47, %dma_wait3A_48] : memref<10000x64xf32, #tpu.memory_space<hbm>> -> memref<10000x64xf32, #tpu.memory_space<hbm>>
      tpu.wait_indirect_dma semaphore(%arg12 : memref<!tpu.dma_semaphore, #tpu.memory_space<semaphore_mem>>) src(%dma_wait3A_49 : memref<10000x64xf32, #tpu.memory_space<hbm>>) dst(%arg9 : memref<128x64xf32, #tpu.memory_space<vmem>>)
      "tpu.region"() ({
        %run_scoped3A = tpu.sem_alloc : memref<!tpu.dma_semaphore, #tpu.memory_space<semaphore_mem>>
        %dma_start3A_69 = arith.constant 0 : i32
        %dma_start3A_70 = tpu.memref_slice %arg8[%mul3A_43, %dma_start3A_69] : memref<80x128xi32, #tpu.memory_space<vmem>> -> memref<1x128xi32, #tpu.memory_space<vmem>>
        %dma_start3A_71 = tpu.memref_squeeze %dma_start3A_70 : memref<1x128xi32, #tpu.memory_space<vmem>> -> memref<128xi32, #tpu.memory_space<vmem>>
        %dma_start3A_72 = arith.constant 0 : i32
        %dma_start3A_73 = arith.constant 0 : i32
        %dma_start3A_74 = tpu.memref_slice %arg11[%dma_start3A_72, %dma_start3A_73] : memref<10008x64xf32, #tpu.memory_space<vmem_shared>> -> memref<10008x64xf32, #tpu.memory_space<vmem_shared>>
        tpu.enqueue_indirect_dma source(%arg9 : memref<128x64xf32, #tpu.memory_space<vmem>>) target(%dma_start3A_74 : memref<10008x64xf32, #tpu.memory_space<vmem_shared>>) offsets(%dma_start3A_71 : memref<128xi32, #tpu.memory_space<vmem>>) semaphore(%run_scoped3A : memref<!tpu.dma_semaphore, #tpu.memory_space<semaphore_mem>>) {add = true}
        %dma_wait3A_75 = arith.constant 0 : i32
        %dma_wait3A_76 = tpu.memref_slice %arg8[%mul3A_43, %dma_wait3A_75] : memref<80x128xi32, #tpu.memory_space<vmem>> -> memref<1x128xi32, #tpu.memory_space<vmem>>
        %dma_wait3A_77 = tpu.memref_squeeze %dma_wait3A_76 : memref<1x128xi32, #tpu.memory_space<vmem>> -> memref<128xi32, #tpu.memory_space<vmem>>
        %dma_wait3A_78 = arith.constant 0 : i32
        %dma_wait3A_79 = arith.constant 0 : i32
        %dma_wait3A_80 = tpu.memref_slice %arg11[%dma_wait3A_78, %dma_wait3A_79] : memref<10008x64xf32, #tpu.memory_space<vmem_shared>> -> memref<10008x64xf32, #tpu.memory_space<vmem_shared>>
        tpu.wait_indirect_dma semaphore(%run_scoped3A : memref<!tpu.dma_semaphore, #tpu.memory_space<semaphore_mem>>) src(%arg9 : memref<128x64xf32, #tpu.memory_space<vmem>>) dst(%dma_wait3A_80 : memref<10008x64xf32, #tpu.memory_space<vmem_shared>>)
        tpu.yield
      }) : () -> ()
      %lt3A_50 = arith.constant 39 : i32
      %lt3A_51 = arith.cmpi slt, %scan3A_41, %lt3A_50 : i32
      %convert_element_type3A_52 = arith.extui %lt3A_51 : i1 to i32
      %cond3A_53 = arith.constant 0 : i32
      %cond3A_54 = arith.cmpi ne, %convert_element_type3A_52, %cond3A_53 : i32
      scf.if %cond3A_54 {
        %add3A_69 = arith.constant 2 : i32
        %add3A_70 = arith.addi %mul3A_43, %add3A_69 : i32
        %dma_start3A_71 = arith.constant 0 : i32
        %dma_start3A_72 = tpu.memref_slice %arg7[%add3A_70, %dma_start3A_71] : memref<80x128xi32, #tpu.memory_space<vmem>> -> memref<1x128xi32, #tpu.memory_space<vmem>>
        %dma_start3A_73 = tpu.memref_squeeze %dma_start3A_72 : memref<1x128xi32, #tpu.memory_space<vmem>> -> memref<128xi32, #tpu.memory_space<vmem>>
        %dma_start3A_74 = arith.constant 0 : i32
        %dma_start3A_75 = arith.constant 0 : i32
        %dma_start3A_76 = tpu.memref_slice %arg2[%dma_start3A_74, %dma_start3A_75] : memref<10000x64xf32, #tpu.memory_space<hbm>> -> memref<10000x64xf32, #tpu.memory_space<hbm>>
        tpu.enqueue_indirect_dma source(%dma_start3A_76 : memref<10000x64xf32, #tpu.memory_space<hbm>>) target(%arg9 : memref<128x64xf32, #tpu.memory_space<vmem>>) offsets(%dma_start3A_73 : memref<128xi32, #tpu.memory_space<vmem>>) semaphore(%arg12 : memref<!tpu.dma_semaphore, #tpu.memory_space<semaphore_mem>>)
      } else {
      }
      %dma_wait3A_55 = arith.constant 0 : i32
      %dma_wait3A_56 = arith.constant 0 : i32
      %dma_wait3A_57 = tpu.memref_slice %arg7[%dma_wait3A_55, %dma_wait3A_56] : memref<80x128xi32, #tpu.memory_space<vmem>> -> memref<1x128xi32, #tpu.memory_space<vmem>>
      %dma_wait3A_58 = tpu.memref_squeeze %dma_wait3A_57 : memref<1x128xi32, #tpu.memory_space<vmem>> -> memref<128xi32, #tpu.memory_space<vmem>>
      %dma_wait3A_59 = arith.constant 0 : i32
      %dma_wait3A_60 = arith.constant 0 : i32
      %dma_wait3A_61 = tpu.memref_slice %arg2[%dma_wait3A_59, %dma_wait3A_60] : memref<10000x64xf32, #tpu.memory_space<hbm>> -> memref<10000x64xf32, #tpu.memory_space<hbm>>
      tpu.wait_indirect_dma semaphore(%arg13 : memref<!tpu.dma_semaphore, #tpu.memory_space<semaphore_mem>>) src(%dma_wait3A_61 : memref<10000x64xf32, #tpu.memory_space<hbm>>) dst(%arg10 : memref<128x64xf32, #tpu.memory_space<vmem>>)
      %add3A_62 = arith.constant 1 : i32
      %add3A_63 = arith.addi %mul3A_43, %add3A_62 : i32
      "tpu.region"() ({
        %run_scoped3A = tpu.sem_alloc : memref<!tpu.dma_semaphore, #tpu.memory_space<semaphore_mem>>
        %dma_start3A_69 = arith.constant 0 : i32
        %dma_start3A_70 = tpu.memref_slice %arg8[%add3A_63, %dma_start3A_69] : memref<80x128xi32, #tpu.memory_space<vmem>> -> memref<1x128xi32, #tpu.memory_space<vmem>>
        %dma_start3A_71 = tpu.memref_squeeze %dma_start3A_70 : memref<1x128xi32, #tpu.memory_space<vmem>> -> memref<128xi32, #tpu.memory_space<vmem>>
        %dma_start3A_72 = arith.constant 0 : i32
        %dma_start3A_73 = arith.constant 0 : i32
        %dma_start3A_74 = tpu.memref_slice %arg11[%dma_start3A_72, %dma_start3A_73] : memref<10008x64xf32, #tpu.memory_space<vmem_shared>> -> memref<10008x64xf32, #tpu.memory_space<vmem_shared>>
        tpu.enqueue_indirect_dma source(%arg10 : memref<128x64xf32, #tpu.memory_space<vmem>>) target(%dma_start3A_74 : memref<10008x64xf32, #tpu.memory_space<vmem_shared>>) offsets(%dma_start3A_71 : memref<128xi32, #tpu.memory_space<vmem>>) semaphore(%run_scoped3A : memref<!tpu.dma_semaphore, #tpu.memory_space<semaphore_mem>>) {add = true}
        %dma_wait3A_75 = arith.constant 0 : i32
        %dma_wait3A_76 = tpu.memref_slice %arg8[%add3A_63, %dma_wait3A_75] : memref<80x128xi32, #tpu.memory_space<vmem>> -> memref<1x128xi32, #tpu.memory_space<vmem>>
        %dma_wait3A_77 = tpu.memref_squeeze %dma_wait3A_76 : memref<1x128xi32, #tpu.memory_space<vmem>> -> memref<128xi32, #tpu.memory_space<vmem>>
        %dma_wait3A_78 = arith.constant 0 : i32
        %dma_wait3A_79 = arith.constant 0 : i32
        %dma_wait3A_80 = tpu.memref_slice %arg11[%dma_wait3A_78, %dma_wait3A_79] : memref<10008x64xf32, #tpu.memory_space<vmem_shared>> -> memref<10008x64xf32, #tpu.memory_space<vmem_shared>>
        tpu.wait_indirect_dma semaphore(%run_scoped3A : memref<!tpu.dma_semaphore, #tpu.memory_space<semaphore_mem>>) src(%arg10 : memref<128x64xf32, #tpu.memory_space<vmem>>) dst(%dma_wait3A_80 : memref<10008x64xf32, #tpu.memory_space<vmem_shared>>)
        tpu.yield
      }) : () -> ()
      %lt3A_64 = arith.constant 39 : i32
      %lt3A_65 = arith.cmpi slt, %scan3A_41, %lt3A_64 : i32
      %convert_element_type3A_66 = arith.extui %lt3A_65 : i1 to i32
      %cond3A_67 = arith.constant 0 : i32
      %cond3A_68 = arith.cmpi ne, %convert_element_type3A_66, %cond3A_67 : i32
      scf.if %cond3A_68 {
        %add3A_69 = arith.constant 3 : i32
        %add3A_70 = arith.addi %mul3A_43, %add3A_69 : i32
        %dma_start3A_71 = arith.constant 0 : i32
        %dma_start3A_72 = tpu.memref_slice %arg7[%add3A_70, %dma_start3A_71] : memref<80x128xi32, #tpu.memory_space<vmem>> -> memref<1x128xi32, #tpu.memory_space<vmem>>
        %dma_start3A_73 = tpu.memref_squeeze %dma_start3A_72 : memref<1x128xi32, #tpu.memory_space<vmem>> -> memref<128xi32, #tpu.memory_space<vmem>>
        %dma_start3A_74 = arith.constant 0 : i32
        %dma_start3A_75 = arith.constant 0 : i32
        %dma_start3A_76 = tpu.memref_slice %arg2[%dma_start3A_74, %dma_start3A_75] : memref<10000x64xf32, #tpu.memory_space<hbm>> -> memref<10000x64xf32, #tpu.memory_space<hbm>>
        tpu.enqueue_indirect_dma source(%dma_start3A_76 : memref<10000x64xf32, #tpu.memory_space<hbm>>) target(%arg10 : memref<128x64xf32, #tpu.memory_space<vmem>>) offsets(%dma_start3A_73 : memref<128xi32, #tpu.memory_space<vmem>>) semaphore(%arg13 : memref<!tpu.dma_semaphore, #tpu.memory_space<semaphore_mem>>)
      } else {
      }
    }
    %scan3A_29 = arith.constant 40 : i32
    %barrier3A_30 = arith.constant 0 : index
    tpu.barrier barrier_id(%barrier3A_30)
    %lt3A_31 = arith.constant 15 : i32
    %lt3A_32 = arith.cmpi slt, %arg1, %lt3A_31 : i32
    %convert_element_type3A_33 = arith.extui %lt3A_32 : i1 to i32
    %cond3A_34 = arith.constant 0 : i32
    %cond3A_35 = arith.cmpi ne, %convert_element_type3A_33, %cond3A_34 : i32
    scf.if %cond3A_35 {
      "tpu.region"() ({
        %run_scoped3A = tpu.sem_alloc : memref<!tpu.dma_semaphore, #tpu.memory_space<semaphore_mem>>
        %dma_start3A_41 = arith.constant 0 : i32
        %dma_start3A_42 = tpu.memref_slice %arg6[%arg0, %multiple_of3A_5, %dma_start3A_41] : memref<2x10000x64xf32, #tpu.memory_space<hbm>> -> memref<1x632x64xf32, #tpu.memory_space<hbm>>
        %dma_start3A_43 = tpu.memref_squeeze %dma_start3A_42 : memref<1x632x64xf32, #tpu.memory_space<hbm>> -> memref<632x64xf32, #tpu.memory_space<hbm>>
        %dma_start3A_44 = arith.constant 0 : i32
        %dma_start3A_45 = tpu.memref_slice %arg11[%multiple_of3A_5, %dma_start3A_44] : memref<10008x64xf32, #tpu.memory_space<vmem_shared>> -> memref<632x64xf32, #tpu.memory_space<vmem_shared>>
        tpu.enqueue_dma source(%dma_start3A_45 : memref<632x64xf32, #tpu.memory_space<vmem_shared>>) target(%dma_start3A_43 : memref<632x64xf32, #tpu.memory_space<hbm>>) target_semaphore(%run_scoped3A : memref<!tpu.dma_semaphore, #tpu.memory_space<semaphore_mem>>)
        %dma_wait3A = arith.constant 0 : i32
        %dma_wait3A_46 = tpu.memref_slice %arg6[%arg0, %multiple_of3A_5, %dma_wait3A] : memref<2x10000x64xf32, #tpu.memory_space<hbm>> -> memref<1x632x64xf32, #tpu.memory_space<hbm>>
        %dma_wait3A_47 = tpu.memref_squeeze %dma_wait3A_46 : memref<1x632x64xf32, #tpu.memory_space<hbm>> -> memref<632x64xf32, #tpu.memory_space<hbm>>
        %dma_wait3A_48 = arith.constant 0 : i32
        %dma_wait3A_49 = tpu.memref_slice %arg11[%multiple_of3A_5, %dma_wait3A_48] : memref<10008x64xf32, #tpu.memory_space<vmem_shared>> -> memref<632x64xf32, #tpu.memory_space<vmem_shared>>
        tpu.wait_dma2 semaphore(%run_scoped3A : memref<!tpu.dma_semaphore, #tpu.memory_space<semaphore_mem>>) src(%dma_wait3A_49 : memref<632x64xf32, #tpu.memory_space<vmem_shared>>) dst(%dma_wait3A_47 : memref<632x64xf32, #tpu.memory_space<hbm>>)
        tpu.yield
      }) : () -> ()
    } else {
    }
    %eq3A_36 = arith.constant 15 : i32
    %eq3A_37 = arith.cmpi eq, %arg1, %eq3A_36 : i32
    %convert_element_type3A_38 = arith.extui %eq3A_37 : i1 to i32
    %cond3A_39 = arith.constant 0 : i32
    %cond3A_40 = arith.cmpi ne, %convert_element_type3A_38, %cond3A_39 : i32
    scf.if %cond3A_40 {
      "tpu.region"() ({
        %run_scoped3A = tpu.sem_alloc : memref<!tpu.dma_semaphore, #tpu.memory_space<semaphore_mem>>
        %dma_start3A_41 = arith.constant 9480 : i32
        %dma_start3A_42 = arith.constant 0 : i32
        %dma_start3A_43 = tpu.memref_slice %arg6[%arg0, %dma_start3A_41, %dma_start3A_42] : memref<2x10000x64xf32, #tpu.memory_space<hbm>> -> memref<1x520x64xf32, #tpu.memory_space<hbm>>
        %dma_start3A_44 = tpu.memref_squeeze %dma_start3A_43 : memref<1x520x64xf32, #tpu.memory_space<hbm>> -> memref<520x64xf32, #tpu.memory_space<hbm>>
        %dma_start3A_45 = arith.constant 9480 : i32
        %dma_start3A_46 = arith.constant 0 : i32
        %dma_start3A_47 = tpu.memref_slice %arg11[%dma_start3A_45, %dma_start3A_46] : memref<10008x64xf32, #tpu.memory_space<vmem_shared>> -> memref<520x64xf32, #tpu.memory_space<vmem_shared>>
        tpu.enqueue_dma source(%dma_start3A_47 : memref<520x64xf32, #tpu.memory_space<vmem_shared>>) target(%dma_start3A_44 : memref<520x64xf32, #tpu.memory_space<hbm>>) target_semaphore(%run_scoped3A : memref<!tpu.dma_semaphore, #tpu.memory_space<semaphore_mem>>)
        %dma_wait3A = arith.constant 9480 : i32
        %dma_wait3A_48 = arith.constant 0 : i32
        %dma_wait3A_49 = tpu.memref_slice %arg6[%arg0, %dma_wait3A, %dma_wait3A_48] : memref<2x10000x64xf32, #tpu.memory_space<hbm>> -> memref<1x520x64xf32, #tpu.memory_space<hbm>>
        %dma_wait3A_50 = tpu.memref_squeeze %dma_wait3A_49 : memref<1x520x64xf32, #tpu.memory_space<hbm>> -> memref<520x64xf32, #tpu.memory_space<hbm>>
        %dma_wait3A_51 = arith.constant 9480 : i32
        %dma_wait3A_52 = arith.constant 0 : i32
        %dma_wait3A_53 = tpu.memref_slice %arg11[%dma_wait3A_51, %dma_wait3A_52] : memref<10008x64xf32, #tpu.memory_space<vmem_shared>> -> memref<520x64xf32, #tpu.memory_space<vmem_shared>>
        tpu.wait_dma2 semaphore(%run_scoped3A : memref<!tpu.dma_semaphore, #tpu.memory_space<semaphore_mem>>) src(%dma_wait3A_53 : memref<520x64xf32, #tpu.memory_space<vmem_shared>>) dst(%dma_wait3A_50 : memref<520x64xf32, #tpu.memory_space<hbm>>)
        tpu.yield
      }) : () -> ()
    } else {
    }
    return
  }
}

module attributes {stable_mosaic.version = 14 : i64} {
  func.func @_mm1_body(%arg0: i32, %arg1: memref<2000x128xf32, #tpu.memory_space<vmem>>, %arg2: memref<128x64xf32, #tpu.memory_space<vmem>>, %arg3: memref<1x64xf32, #tpu.memory_space<vmem>>, %arg4: memref<2000x64xf32, #tpu.memory_space<vmem>>) attributes {dimension_semantics = [#tpu.dimension_semantics<arbitrary>], iteration_bounds = array<i64: 5>, scalar_prefetch = 0 : i64, scratch_operands = 0 : i64, tpu.core_type = #tpu.core_type<tc>, window_params = [{transform_indices = @transform_0, window_bounds = array<i64: 2000, 128>}, {pipeline_mode = #tpu.pipeline_mode<synchronous>, transform_indices = @transform_1, window_bounds = array<i64: 128, 64>}, {pipeline_mode = #tpu.pipeline_mode<synchronous>, transform_indices = @transform_2, window_bounds = array<i64: 1, 64>}, {transform_indices = @transform_3, window_bounds = array<i64: 2000, 64>}]} {
    %get3A = arith.constant 0 : index
    %get3A_0 = arith.constant 0 : index
    %get3A_1 = vector.load %arg1[%get3A, %get3A_0] : memref<2000x128xf32, #tpu.memory_space<vmem>>, vector<2000x128xf32>
    %get3A_2 = arith.constant 0 : index
    %get3A_3 = arith.constant 0 : index
    %get3A_4 = vector.load %arg2[%get3A_2, %get3A_3] : memref<128x64xf32, #tpu.memory_space<vmem>>, vector<128x64xf32>
    %dot_general3A = arith.constant dense<0.000000e+00> : vector<2000x64xf32>
    %dot_general3A_5 = tpu.matmul %get3A_1, %get3A_4, %dot_general3A {dimension_numbers = #tpu.dot_dimension_numbers<[1], [0], [0], [1], [0, 0, 1, 1], [], []>, transpose_lhs_hint = false} : vector<2000x128xf32>, vector<128x64xf32>, vector<2000x64xf32> -> vector<2000x64xf32>
    %get3A_6 = arith.constant 0 : index
    %get3A_7 = arith.constant 0 : index
    %get3A_8 = vector.load %arg3[%get3A_6, %get3A_7] : memref<1x64xf32, #tpu.memory_space<vmem>>, vector<1x64xf32>
    %add3A = vector.broadcast %get3A_8 : vector<1x64xf32> to vector<2000x64xf32>
    %add3A_9 = arith.addf %dot_general3A_5, %add3A : vector<2000x64xf32>
    %swap3A = arith.constant 0 : index
    %swap3A_10 = arith.constant 0 : index
    %swap3A_11 = vector.load %arg4[%swap3A, %swap3A_10] : memref<2000x64xf32, #tpu.memory_space<vmem>>, vector<2000x64xf32>
    tpu.vector_store %arg4[%swap3A, %swap3A_10], %add3A_9 {strides = array<i32>} : memref<2000x64xf32, #tpu.memory_space<vmem>>, vector<2000x64xf32>,
    return
  }
  func.func @transform_0(%arg0: i32) -> (i32, i32) {
    %c0_i32 = arith.constant 0 : i32
    %c0_i32_0 = arith.constant 0 : i32
    return %arg0, %c0_i32 : i32, i32
  }
  func.func @transform_1(%arg0: i32) -> (i32, i32) {
    %c0_i32 = arith.constant 0 : i32
    %c0_i32_0 = arith.constant 0 : i32
    %c0_i32_1 = arith.constant 0 : i32
    return %c0_i32, %c0_i32_0 : i32, i32
  }
  func.func @transform_2(%arg0: i32) -> (i32, i32) {
    %c0_i32 = arith.constant 0 : i32
    %c0_i32_0 = arith.constant 0 : i32
    %c0_i32_1 = arith.constant 0 : i32
    return %c0_i32, %c0_i32_0 : i32, i32
  }
  func.func @transform_3(%arg0: i32) -> (i32, i32) {
    %c0_i32 = arith.constant 0 : i32
    %c0_i32_0 = arith.constant 0 : i32
    return %arg0, %c0_i32 : i32, i32
  }
}

module attributes {stable_mosaic.version = 14 : i64} {
  func.func @_layer_body(%arg0: i32, %arg1: memref<2x2000x64xf32, #tpu.memory_space<vmem>>, %arg2: memref<2x2000x1xf32, #tpu.memory_space<vmem>>, %arg3: memref<64x64xf32, #tpu.memory_space<vmem>>, %arg4: memref<1x64xf32, #tpu.memory_space<vmem>>, %arg5: memref<2000x64xf32, #tpu.memory_space<vmem>>) attributes {dimension_semantics = [#tpu.dimension_semantics<arbitrary>], iteration_bounds = array<i64: 5>, scalar_prefetch = 0 : i64, scratch_operands = 0 : i64, tpu.core_type = #tpu.core_type<tc>, window_params = [{transform_indices = @transform_0, window_bounds = array<i64: 2, 2000, 64>}, {transform_indices = @transform_1, window_bounds = array<i64: 2, 2000, 1>}, {pipeline_mode = #tpu.pipeline_mode<synchronous>, transform_indices = @transform_2, window_bounds = array<i64: 64, 64>}, {pipeline_mode = #tpu.pipeline_mode<synchronous>, transform_indices = @transform_3, window_bounds = array<i64: 1, 64>}, {transform_indices = @transform_4, window_bounds = array<i64: 2000, 64>}]} {
    %get3A = arith.constant 0 : index
    %get3A_0 = arith.constant 0 : index
    %get3A_1 = arith.constant 0 : index
    %get3A_2 = vector.load %arg1[%get3A, %get3A_0, %get3A_1] : memref<2x2000x64xf32, #tpu.memory_space<vmem>>, vector<1x2000x64xf32>
    %get3A_3 = vector.shape_cast %get3A_2 : vector<1x2000x64xf32> to vector<2000x64xf32>
    %get3A_4 = arith.constant 1 : index
    %get3A_5 = arith.constant 0 : index
    %get3A_6 = arith.constant 0 : index
    %get3A_7 = vector.load %arg1[%get3A_4, %get3A_5, %get3A_6] : memref<2x2000x64xf32, #tpu.memory_space<vmem>>, vector<1x2000x64xf32>
    %get3A_8 = vector.shape_cast %get3A_7 : vector<1x2000x64xf32> to vector<2000x64xf32>
    %add3A = arith.addf %get3A_3, %get3A_8 : vector<2000x64xf32>
    %get3A_9 = arith.constant 0 : index
    %get3A_10 = arith.constant 0 : index
    %get3A_11 = arith.constant 0 : index
    %get3A_12 = vector.load %arg2[%get3A_9, %get3A_10, %get3A_11] : memref<2x2000x1xf32, #tpu.memory_space<vmem>>, vector<1x2000x1xf32>
    %get3A_13 = vector.shape_cast %get3A_12 : vector<1x2000x1xf32> to vector<2000x1xf32>
    %get3A_14 = arith.constant 1 : index
    %get3A_15 = arith.constant 0 : index
    %get3A_16 = arith.constant 0 : index
    %get3A_17 = vector.load %arg2[%get3A_14, %get3A_15, %get3A_16] : memref<2x2000x1xf32, #tpu.memory_space<vmem>>, vector<1x2000x1xf32>
    %get3A_18 = vector.shape_cast %get3A_17 : vector<1x2000x1xf32> to vector<2000x1xf32>
    %add3A_19 = arith.addf %get3A_13, %get3A_18 : vector<2000x1xf32>
    %max3A = arith.constant 1.000000e+00 : f32
    %max3A_20 = vector.broadcast %max3A : f32 to vector<2000x1xf32>
    %max3A_21 = arith.maximumf %add3A_19, %max3A_20 : vector<2000x1xf32>
    %div3A = vector.broadcast %max3A_21 : vector<2000x1xf32> to vector<2000x64xf32>
    %div3A_22 = arith.divf %add3A, %div3A : vector<2000x64xf32>
    %max3A_23 = arith.constant 0.000000e+00 : f32
    %max3A_24 = vector.broadcast %max3A_23 : f32 to vector<2000x64xf32>
    %max3A_25 = arith.maximumf %div3A_22, %max3A_24 : vector<2000x64xf32>
    %mul3A = arith.mulf %max3A_25, %max3A_25 : vector<2000x64xf32>
    %reduce_sum3A = arith.constant dense<0.000000e+00> : vector<2000xf32>
    %reduce_sum3A_26 = vector.multi_reduction <add>, %mul3A, %reduce_sum3A [1] : vector<2000x64xf32> to vector<2000xf32>
    %broadcast_in_dim3A = vector.shape_cast %reduce_sum3A_26 : vector<2000xf32> to vector<2000x1xf32>
    %sqrt3A = math.sqrt %broadcast_in_dim3A : vector<2000x1xf32>
    %add3A_27 = arith.constant 9.99999997E-7 : f32
    %add3A_28 = vector.broadcast %add3A_27 : f32 to vector<2000x1xf32>
    %add3A_29 = arith.addf %sqrt3A, %add3A_28 : vector<2000x1xf32>
    %div3A_30 = vector.broadcast %add3A_29 : vector<2000x1xf32> to vector<2000x64xf32>
    %div3A_31 = arith.divf %max3A_25, %div3A_30 : vector<2000x64xf32>
    %get3A_32 = arith.constant 0 : index
    %get3A_33 = arith.constant 0 : index
    %get3A_34 = vector.load %arg3[%get3A_32, %get3A_33] : memref<64x64xf32, #tpu.memory_space<vmem>>, vector<64x64xf32>
    %dot_general3A = arith.constant dense<0.000000e+00> : vector<2000x64xf32>
    %dot_general3A_35 = tpu.matmul %div3A_31, %get3A_34, %dot_general3A {dimension_numbers = #tpu.dot_dimension_numbers<[1], [0], [0], [1], [0, 0, 1, 1], [], []>, transpose_lhs_hint = false} : vector<2000x64xf32>, vector<64x64xf32>, vector<2000x64xf32> -> vector<2000x64xf32>
    %get3A_36 = arith.constant 0 : index
    %get3A_37 = arith.constant 0 : index
    %get3A_38 = vector.load %arg4[%get3A_36, %get3A_37] : memref<1x64xf32, #tpu.memory_space<vmem>>, vector<1x64xf32>
    %add3A_39 = vector.broadcast %get3A_38 : vector<1x64xf32> to vector<2000x64xf32>
    %add3A_40 = arith.addf %dot_general3A_35, %add3A_39 : vector<2000x64xf32>
    %swap3A = arith.constant 0 : index
    %swap3A_41 = arith.constant 0 : index
    %swap3A_42 = vector.load %arg5[%swap3A, %swap3A_41] : memref<2000x64xf32, #tpu.memory_space<vmem>>, vector<2000x64xf32>
    tpu.vector_store %arg5[%swap3A, %swap3A_41], %add3A_40 {strides = array<i32>} : memref<2000x64xf32, #tpu.memory_space<vmem>>, vector<2000x64xf32>,
    return
  }
  func.func @transform_0(%arg0: i32) -> (i32, i32, i32) {
    %c0_i32 = arith.constant 0 : i32
    %c0_i32_0 = arith.constant 0 : i32
    %c0_i32_1 = arith.constant 0 : i32
    return %c0_i32, %arg0, %c0_i32_0 : i32, i32, i32
  }
  func.func @transform_1(%arg0: i32) -> (i32, i32, i32) {
    %c0_i32 = arith.constant 0 : i32
    %c0_i32_0 = arith.constant 0 : i32
    %c0_i32_1 = arith.constant 0 : i32
    return %c0_i32, %arg0, %c0_i32_0 : i32, i32, i32
  }
  func.func @transform_2(%arg0: i32) -> (i32, i32) {
    %c0_i32 = arith.constant 0 : i32
    %c0_i32_0 = arith.constant 0 : i32
    %c0_i32_1 = arith.constant 0 : i32
    return %c0_i32, %c0_i32_0 : i32, i32
  }
  func.func @transform_3(%arg0: i32) -> (i32, i32) {
    %c0_i32 = arith.constant 0 : i32
    %c0_i32_0 = arith.constant 0 : i32
    %c0_i32_1 = arith.constant 0 : i32
    return %c0_i32, %c0_i32_0 : i32, i32
  }
  func.func @transform_4(%arg0: i32) -> (i32, i32) {
    %c0_i32 = arith.constant 0 : i32
    %c0_i32_0 = arith.constant 0 : i32
    return %arg0, %c0_i32 : i32, i32
  }
}

module attributes {stable_mosaic.version = 14 : i64} {
  func.func @_head_body(%arg0: i32, %arg1: memref<2x2000x64xf32, #tpu.memory_space<vmem>>, %arg2: memref<2x2000x1xf32, #tpu.memory_space<vmem>>, %arg3: memref<64x32xf32, #tpu.memory_space<vmem>>, %arg4: memref<1x32xf32, #tpu.memory_space<vmem>>, %arg5: memref<32x1xf32, #tpu.memory_space<vmem>>, %arg6: memref<1x1xf32, #tpu.memory_space<vmem>>, %arg7: memref<2000x1xf32, #tpu.memory_space<vmem>>) attributes {dimension_semantics = [#tpu.dimension_semantics<arbitrary>], iteration_bounds = array<i64: 5>, scalar_prefetch = 0 : i64, scratch_operands = 0 : i64, tpu.core_type = #tpu.core_type<tc>, window_params = [{transform_indices = @transform_0, window_bounds = array<i64: 2, 2000, 64>}, {transform_indices = @transform_1, window_bounds = array<i64: 2, 2000, 1>}, {pipeline_mode = #tpu.pipeline_mode<synchronous>, transform_indices = @transform_2, window_bounds = array<i64: 64, 32>}, {pipeline_mode = #tpu.pipeline_mode<synchronous>, transform_indices = @transform_3, window_bounds = array<i64: 1, 32>}, {pipeline_mode = #tpu.pipeline_mode<synchronous>, transform_indices = @transform_4, window_bounds = array<i64: 32, 1>}, {pipeline_mode = #tpu.pipeline_mode<synchronous>, transform_indices = @transform_5, window_bounds = array<i64: 1, 1>}, {transform_indices = @transform_6, window_bounds = array<i64: 2000, 1>}]} {
    %get3A = arith.constant 0 : index
    %get3A_0 = arith.constant 0 : index
    %get3A_1 = arith.constant 0 : index
    %get3A_2 = vector.load %arg1[%get3A, %get3A_0, %get3A_1] : memref<2x2000x64xf32, #tpu.memory_space<vmem>>, vector<1x2000x64xf32>
    %get3A_3 = vector.shape_cast %get3A_2 : vector<1x2000x64xf32> to vector<2000x64xf32>
    %get3A_4 = arith.constant 1 : index
    %get3A_5 = arith.constant 0 : index
    %get3A_6 = arith.constant 0 : index
    %get3A_7 = vector.load %arg1[%get3A_4, %get3A_5, %get3A_6] : memref<2x2000x64xf32, #tpu.memory_space<vmem>>, vector<1x2000x64xf32>
    %get3A_8 = vector.shape_cast %get3A_7 : vector<1x2000x64xf32> to vector<2000x64xf32>
    %add3A = arith.addf %get3A_3, %get3A_8 : vector<2000x64xf32>
    %get3A_9 = arith.constant 0 : index
    %get3A_10 = arith.constant 0 : index
    %get3A_11 = arith.constant 0 : index
    %get3A_12 = vector.load %arg2[%get3A_9, %get3A_10, %get3A_11] : memref<2x2000x1xf32, #tpu.memory_space<vmem>>, vector<1x2000x1xf32>
    %get3A_13 = vector.shape_cast %get3A_12 : vector<1x2000x1xf32> to vector<2000x1xf32>
    %get3A_14 = arith.constant 1 : index
    %get3A_15 = arith.constant 0 : index
    %get3A_16 = arith.constant 0 : index
    %get3A_17 = vector.load %arg2[%get3A_14, %get3A_15, %get3A_16] : memref<2x2000x1xf32, #tpu.memory_space<vmem>>, vector<1x2000x1xf32>
    %get3A_18 = vector.shape_cast %get3A_17 : vector<1x2000x1xf32> to vector<2000x1xf32>
    %add3A_19 = arith.addf %get3A_13, %get3A_18 : vector<2000x1xf32>
    %max3A = arith.constant 1.000000e+00 : f32
    %max3A_20 = vector.broadcast %max3A : f32 to vector<2000x1xf32>
    %max3A_21 = arith.maximumf %add3A_19, %max3A_20 : vector<2000x1xf32>
    %div3A = vector.broadcast %max3A_21 : vector<2000x1xf32> to vector<2000x64xf32>
    %div3A_22 = arith.divf %add3A, %div3A : vector<2000x64xf32>
    %max3A_23 = arith.constant 0.000000e+00 : f32
    %max3A_24 = vector.broadcast %max3A_23 : f32 to vector<2000x64xf32>
    %max3A_25 = arith.maximumf %div3A_22, %max3A_24 : vector<2000x64xf32>
    %mul3A = arith.mulf %max3A_25, %max3A_25 : vector<2000x64xf32>
    %reduce_sum3A = arith.constant dense<0.000000e+00> : vector<2000xf32>
    %reduce_sum3A_26 = vector.multi_reduction <add>, %mul3A, %reduce_sum3A [1] : vector<2000x64xf32> to vector<2000xf32>
    %broadcast_in_dim3A = vector.shape_cast %reduce_sum3A_26 : vector<2000xf32> to vector<2000x1xf32>
    %sqrt3A = math.sqrt %broadcast_in_dim3A : vector<2000x1xf32>
    %add3A_27 = arith.constant 9.99999997E-7 : f32
    %add3A_28 = vector.broadcast %add3A_27 : f32 to vector<2000x1xf32>
    %add3A_29 = arith.addf %sqrt3A, %add3A_28 : vector<2000x1xf32>
    %div3A_30 = vector.broadcast %add3A_29 : vector<2000x1xf32> to vector<2000x64xf32>
    %div3A_31 = arith.divf %max3A_25, %div3A_30 : vector<2000x64xf32>
    %get3A_32 = arith.constant 0 : index
    %get3A_33 = arith.constant 0 : index
    %get3A_34 = vector.load %arg3[%get3A_32, %get3A_33] : memref<64x32xf32, #tpu.memory_space<vmem>>, vector<64x32xf32>
    %dot_general3A = arith.constant dense<0.000000e+00> : vector<2000x32xf32>
    %dot_general3A_35 = tpu.matmul %div3A_31, %get3A_34, %dot_general3A {dimension_numbers = #tpu.dot_dimension_numbers<[1], [0], [0], [1], [0, 0, 1, 1], [], []>, transpose_lhs_hint = false} : vector<2000x64xf32>, vector<64x32xf32>, vector<2000x32xf32> -> vector<2000x32xf32>
    %get3A_36 = arith.constant 0 : index
    %get3A_37 = arith.constant 0 : index
    %get3A_38 = vector.load %arg4[%get3A_36, %get3A_37] : memref<1x32xf32, #tpu.memory_space<vmem>>, vector<1x32xf32>
    %add3A_39 = vector.broadcast %get3A_38 : vector<1x32xf32> to vector<2000x32xf32>
    %add3A_40 = arith.addf %dot_general3A_35, %add3A_39 : vector<2000x32xf32>
    %max3A_41 = arith.constant 0.000000e+00 : f32
    %max3A_42 = vector.broadcast %max3A_41 : f32 to vector<2000x32xf32>
    %max3A_43 = arith.maximumf %add3A_40, %max3A_42 : vector<2000x32xf32>
    %get3A_44 = arith.constant 0 : index
    %get3A_45 = arith.constant 0 : index
    %get3A_46 = vector.load %arg5[%get3A_44, %get3A_45] : memref<32x1xf32, #tpu.memory_space<vmem>>, vector<32x1xf32>
    %dot_general3A_47 = arith.constant dense<0.000000e+00> : vector<2000x1xf32>
    %dot_general3A_48 = tpu.matmul %max3A_43, %get3A_46, %dot_general3A_47 {dimension_numbers = #tpu.dot_dimension_numbers<[1], [0], [0], [1], [0, 0, 1, 1], [], []>, transpose_lhs_hint = false} : vector<2000x32xf32>, vector<32x1xf32>, vector<2000x1xf32> -> vector<2000x1xf32>
    %get3A_49 = arith.constant 0 : index
    %get3A_50 = arith.constant 0 : index
    %get3A_51 = vector.load %arg6[%get3A_49, %get3A_50] : memref<1x1xf32, #tpu.memory_space<vmem>>, vector<1x1xf32>
    %add3A_52 = vector.broadcast %get3A_51 : vector<1x1xf32> to vector<2000x1xf32>
    %add3A_53 = arith.addf %dot_general3A_48, %add3A_52 : vector<2000x1xf32>
    %neg3A = arith.constant 0.000000e+00 : f32
    %neg3A_54 = vector.broadcast %neg3A : f32 to vector<2000x1xf32>
    %neg3A_55 = arith.subf %neg3A_54, %add3A_53 : vector<2000x1xf32>
    %exp3A = math.exp %neg3A_55 : vector<2000x1xf32>
    %add3A_56 = arith.constant 1.000000e+00 : f32
    %add3A_57 = vector.broadcast %add3A_56 : f32 to vector<2000x1xf32>
    %add3A_58 = arith.addf %add3A_57, %exp3A : vector<2000x1xf32>
    %div3A_59 = arith.constant 1.000000e+00 : f32
    %div3A_60 = vector.broadcast %div3A_59 : f32 to vector<2000x1xf32>
    %div3A_61 = arith.divf %div3A_60, %add3A_58 : vector<2000x1xf32>
    %swap3A = arith.constant 0 : index
    %swap3A_62 = arith.constant 0 : index
    %swap3A_63 = vector.load %arg7[%swap3A, %swap3A_62] : memref<2000x1xf32, #tpu.memory_space<vmem>>, vector<2000x1xf32>
    tpu.vector_store %arg7[%swap3A, %swap3A_62], %div3A_61 {strides = array<i32>} : memref<2000x1xf32, #tpu.memory_space<vmem>>, vector<2000x1xf32>,
    return
  }
  func.func @transform_0(%arg0: i32) -> (i32, i32, i32) {
    %c0_i32 = arith.constant 0 : i32
    %c0_i32_0 = arith.constant 0 : i32
    %c0_i32_1 = arith.constant 0 : i32
    return %c0_i32, %arg0, %c0_i32_0 : i32, i32, i32
  }
  func.func @transform_1(%arg0: i32) -> (i32, i32, i32) {
    %c0_i32 = arith.constant 0 : i32
    %c0_i32_0 = arith.constant 0 : i32
    %c0_i32_1 = arith.constant 0 : i32
    return %c0_i32, %arg0, %c0_i32_0 : i32, i32, i32
  }
  func.func @transform_2(%arg0: i32) -> (i32, i32) {
    %c0_i32 = arith.constant 0 : i32
    %c0_i32_0 = arith.constant 0 : i32
    %c0_i32_1 = arith.constant 0 : i32
    return %c0_i32, %c0_i32_0 : i32, i32
  }
  func.func @transform_3(%arg0: i32) -> (i32, i32) {
    %c0_i32 = arith.constant 0 : i32
    %c0_i32_0 = arith.constant 0 : i32
    %c0_i32_1 = arith.constant 0 : i32
    return %c0_i32, %c0_i32_0 : i32, i32
  }
  func.func @transform_4(%arg0: i32) -> (i32, i32) {
    %c0_i32 = arith.constant 0 : i32
    %c0_i32_0 = arith.constant 0 : i32
    %c0_i32_1 = arith.constant 0 : i32
    return %c0_i32, %c0_i32_0 : i32, i32
  }
  func.func @transform_5(%arg0: i32) -> (i32, i32) {
    %c0_i32 = arith.constant 0 : i32
    %c0_i32_0 = arith.constant 0 : i32
    %c0_i32_1 = arith.constant 0 : i32
    return %c0_i32, %c0_i32_0 : i32, i32
  }
  func.func @transform_6(%arg0: i32) -> (i32, i32) {
    %c0_i32 = arith.constant 0 : i32
    %c0_i32_0 = arith.constant 0 : i32
    return %arg0, %c0_i32 : i32, i32
  }
}

</mosaic_0001>

<sc_bundles>
// kernel: kernel.12.cloned.1.call-start
scs
__scs_entry_jumppad:
0x0: {  	(pc) =	sbr.rel $0x88, $3  }
0x1: {  	(tag) =	ssettag $0x0;
	lr =	simm.s32 $0x1  }
0x2: {  	[smem:$0x3F95] =	sst lr;
	_ =	strace $0xD0000000  }
0x3: {  	_ = 	snop  }
0x4: {  	_ = 	snop  }
0x5: {  	_ = 	snop  }
0x6: {  	_ = 	snop  }
0x7: {  	_ = 	snop  }
__scs_overlays_trampoline_lowered:
0x8: {  	[smem:$0x3FA4] =	sst s0  }
0x9: {  	[smem:$0x3FA5] =	sst s1  }
0xa: {  	[smem:$0x3FA6] =	sst s2  }
0xb: {  	[smem:$0x3FA7] =	sst s3  }
0xc: {  	[smem:$0x3FA8] =	sst s4  }
0xd: {  	[smem:$0x3FA9] =	sst s5  }
0xe: {  	[smem:$0x3FAA] =	sst s6  }
0xf: {  	[smem:$0x3FAB] =	sst s7  }
0x10: {  	[smem:$0x3FAC] =	sst s8  }
0x11: {  	[smem:$0x3FAD] =	sst s9;
	s0 =	simm.s32 @!p0 $0x0  }
0x12: {  	s1 =	sld [smem:$0x3F93];
	s0 =	simm.s32 @p0 $0x1  }
0x13: {  	[smem:$0x3FAE] =	sst s0;
	s0 =	simm.s32 @!p1 $0x0  }
0x14: {  	s2 =	sld [smem:$0x3F92];
	s0 =	simm.s32 @p1 $0x1  }
0x15: {  	[smem:$0x3FAF] =	sst s0;
	s0 =	simm.s32 @!p2 $0x0  }
0x16: {  	s3 =	sld [smem:$0x3FDB];
	s0 =	simm.s32 @p2 $0x1  }
0x17: {  	s4 =	simm.s32 $0x1BF5;
	[smem:$0x3FB1] =	sst s0  }
0x18: {  	s0 =	sld [smem:$0x3F94];
	_ =	swait.ge [sflag:s4], $0x0  }
0x19: {  	s7 =	sld [smem:$0x3F95]  }
0x1a: {  	s8 =	sadd.s32 $0xFFFFE003, lr  }
0x1b: {  	s9 =	sadd.s32 $0xFFFFFEF7, lr;
	s5 =	simm.s32 $0xFFFFFFFF;
	p2 =	slt.u32 s8, $0xFFFFF086  }
0x1c: {  	p1 =	slt.u32 s9, $0xF7A;
	s5 =	simm.s32 @!p2 $0x0  }
0x1d: {  	s5 =	simm.s32 @p1 $0x1;
	p0 =	seq.s32 s7, s2  }
0x1e: {  	s7 =	smul.u32 @!p0 $0xF7A, s2;
	p2 =	seq.s32 @!p0 s5, $0x0  }
0x1f: {  	s9 =	smul.u32 $0xF7A, s1;
	s8 =	simm.s32 @!p0 $0x1BF5;
	p2 =	por !p2, p0  }
0x20: {  	[sflag:s8] =	ssyncset.s32 @!p0 $0xFFFFF086;
	s6 =	sadd.s32 @!p0 s3, s7;
	s7 =	simm.s32 @!p0 $0x108  }
0x21: {  	s3 =	sadd.s32 s3, s9;
	s6 =	sadd.s32 @!p0 $0x88, s6;
	s7 =	simm.s32 @p2 $0x1082  }
0x22: {  	[simem:s7], [sflag:s8] =	dma.local @!p0 [hbm:s6], $0xF7A  }
0x23: {  	s9 =	sor.u32 $0xD0000000, s2;
	s6 =	simm.s32 $0x108;
	_ =	swait.ge @!p0 [sflag:s8], $0x0  }
0x24: {  	s3 =	sadd.s32 $0x88, s3;
	s6 =	simm.s32 @!p1 $0x1082;
	[sflag:s4] =	ssyncset.s32 $0xFFFFF086  }
0x25: {  	[simem:s6], [sflag:s4] =	dma.local [hbm:s3], $0xF7A  }
0x26: {  	[smem:$0x3F95] =	sst s1;
	(tag) =	ssettag s2;
	_ =	strace s9  }
0x27: {  	s1 =	sld [smem:$0x3FA5]  }
0x28: {  	s2 =	sld [smem:$0x3FA6]  }
0x29: {  	s4 =	sld [smem:$0x3FA8]  }
0x2a: {  	p0 =	seq.s32 s5, $0x0;
	s5 =	sld [smem:$0x3FA9]  }
0x2b: {  	s6 =	sld [smem:$0x3FAA]  }
0x2c: {  	s7 =	sld [smem:$0x3FAB]  }
0x2d: {  	s3 =	simm.s32 $0x108;
	s8 =	sld [smem:$0x3FAC]  }
0x2e: {  	s3 =	simm.s32 @!p0 $0x1082;
	s9 =	sld [smem:$0x3FAD]  }
0x2f: {  	lr =	sadd.s32 s0, s3;
	s0 =	sld [smem:$0x3FA4]  }
0x30: {  	s3 =	sld [smem:$0x3FA7]  }
0x31: {  	[smem:$0x3FB0] =	sst s10  }
0x32: {  	s10 =	sld [smem:$0x3FAE];
	_ =	sdelay $0x3  }
0x33: {  	p0 =	seq.s32 s10, $0x1;
	s10 =	sld [smem:$0x3FB0];
	_ =	sdelay $0x3  }
0x34: {  	[smem:$0x3FB0] =	sst s10  }
0x35: {  	s10 =	sld [smem:$0x3FAF];
	_ =	sdelay $0x3  }
0x36: {  	p1 =	seq.s32 s10, $0x1;
	s10 =	sld [smem:$0x3FB0];
	_ =	sdelay $0x3  }
0x37: {  	[smem:$0x3FB0] =	sst s10  }
0x38: {  	s10 =	sld [smem:$0x3FB1]  }
0x39: {  	_ = 	snop;
	(pc) =	sbr.ind lr, $3  }
0x3a: {  	_ = 	snop  }
0x3b: {  	_ = 	snop  }
0x3c: {  	p2 =	seq.s32 s10, $0x1;
	s10 =	sld [smem:$0x3FB0]  }
0x3d: {  	_ =	shalt  }
0x3e: {  	_ =	shalt  }
0x3f: {  	_ =	shalt  }
0x40: {  	_ =	shalt  }
0x41: {  	_ =	shalt  }
0x42: {  	_ =	shalt  }
0x43: {  	_ =	shalt  }
0x44: {  	_ =	shalt  }
0x45: {  	_ =	shalt  }
0x46: {  	_ =	shalt  }
0x47: {  	_ =	shalt  }
0x48: {  	_ =	shalt  }
0x49: {  	_ =	shalt  }
0x4a: {  	_ =	shalt  }
0x4b: {  	_ =	shalt  }
0x4c: {  	_ =	shalt  }
0x4d: {  	_ =	shalt  }
0x4e: {  	_ =	shalt  }
0x4f: {  	_ =	shalt  }
0x50: {  	_ =	shalt  }
0x51: {  	_ =	shalt  }
0x52: {  	_ =	shalt  }
0x53: {  	_ =	shalt  }
0x54: {  	_ =	shalt  }
0x55: {  	_ =	shalt  }
0x56: {  	_ =	shalt  }
0x57: {  	_ =	shalt  }
0x58: {  	_ =	shalt  }
0x59: {  	_ =	shalt  }
0x5a: {  	_ =	shalt  }
0x5b: {  	_ =	shalt  }
0x5c: {  	_ =	shalt  }
0x5d: {  	_ =	shalt  }
0x5e: {  	_ =	shalt  }
0x5f: {  	_ =	shalt  }
0x60: {  	_ =	shalt  }
0x61: {  	_ =	shalt  }
0x62: {  	_ =	shalt  }
0x63: {  	_ =	shalt  }
0x64: {  	_ =	shalt  }
0x65: {  	_ =	shalt  }
0x66: {  	_ =	shalt  }
0x67: {  	_ =	shalt  }
0x68: {  	_ =	shalt  }
0x69: {  	_ =	shalt  }
0x6a: {  	_ =	shalt  }
0x6b: {  	_ =	shalt  }
0x6c: {  	_ =	shalt  }
0x6d: {  	_ =	shalt  }
0x6e: {  	_ =	shalt  }
0x6f: {  	_ =	shalt  }
0x70: {  	_ =	shalt  }
0x71: {  	_ =	shalt  }
0x72: {  	_ =	shalt  }
0x73: {  	_ =	shalt  }
0x74: {  	_ =	shalt  }
0x75: {  	_ =	shalt  }
0x76: {  	_ =	shalt  }
0x77: {  	_ =	shalt  }
0x78: {  	_ =	shalt  }
0x79: {  	_ =	shalt  }
0x7a: {  	_ =	shalt  }
0x7b: {  	_ =	shalt  }
0x7c: {  	_ =	shalt  }
0x7d: {  	_ =	shalt  }
0x7e: {  	_ =	shalt  }
0x7f: {  	_ =	shalt  }
0x80: {  	_ =	shalt  }
0x81: {  	_ =	shalt  }
0x82: {  	_ =	shalt  }
0x83: {  	_ =	shalt  }
0x84: {  	_ =	shalt  }
0x85: {  	_ =	shalt  }
0x86: {  	_ =	shalt  }
0x87: {  	_ =	shalt  }
.Lfunc_end0:
.L_simem_size_0:
called_computation.1_lowered:
.L_overlay_start_0:
0x88: {  	s2 =	sld [smem:$0x3FD9]  }
0x89: {  	s3 =	sld [smem:$0x3FFE];
	_ =	sdelay $0x1  }
0x8a: {  	s1 =	srdreg.scid  }
0x8b: {  	s0 =	sand.u32 $0x1, s1  }
0x8c: {  	s16 =	sshll.u32 s0, $0xA;
	s2 =	sadd.s32 s3, s2  }
0x8d: {  	s2 =	sadd.s32 s2, s16  }
0x8e: {  	[smem:$0x3FBC] =	sst s2  }
0x8f: {  	_ = 	snop  }
0x90: {  	(tm) =	ssettm $0x1  }
0x91: {  	s17 =	sld [smem:$0x3FFB];
	_ =	sdelay $0x3  }
0x92: {  	_ =	strace s17  }
0x93: {  	s2 =	sld [smem:$0x3FFC];
	_ =	sdelay $0x3  }
0x94: {  	_ =	strace s2  }
0x95: {  	s2 =	sld [smem:$0x3FFD];
	_ =	sdelay $0x3  }
0x96: {  	_ =	strace s2  }
0x97: {  	_ =	strace $0x8FFFFFFF  }
0x98: {  	s18 =	sld [smem:$0x3FDB];
	_ =	sdelay $0x1  }
0x99: {  	s19 =	simm.s32 $_scs_section_size  }
0x9a: {  	s4 =	simm.s32 $_size__tile_overlayer_lowered;
	s5 =	simm.s32 $_tile_overlayer_lowered  }
0x9b: {  	s22 =	simm.s32 $0x1BFF;
	s21 =	sshll.u32 s5, $0x1;
	s2 =	sadd.s32 s19, s18  }
0x9c: {  	s6 =	simm.s32 $0x0;
	s20 =	sshll.u32 s4, $0x1;
	s4 =	sadd.s32 s21, s2  }
0x9d: {  	[timem:s6], [sflag:s22] =	dma.local [hbm:s4], s20  }
0x9e: {  	_ =	swait.ge [sflag:s22], s20  }
0x9f: {  	s3 =	ssub.s32 $0x0, s20;
	[sflag:s22] =	ssyncset.done $0x0  }
0xa0: {  	[sflag:s22] =	ssyncadd.s32 s3;
	_ =	sdelay $0x1  }
0xa1: {  	s23 =	simm.s32 $0x1B8B  }
0xa2: {  	_ =	swait.ge [sflag:s23], $0x1  }
0xa3: {  	[sflag:s23] =	ssyncset.done $0x0  }
0xa4: {  	s25 =	simm.s32 $0x1B8E;
	s24 =	sld [smem:$0x3FFE];
	[sflag:s23] =	ssyncadd.s32 $0xFFFFFFFF  }
0xa5: {  	s26 =	simm.s32 $execute0_lowered;
	[smem:$0x3FD2] =	sst s25  }
0xa6: {  	s4 =	sshll.u32 s26, $0x1;
	_ =	strace $0x80000049;
	[dreg:$0x1] =	wrdreg $0xFFFFFFFF  }
0xa7: {  	s28 =	simm.s32 $_size_execute0_lowered;
	s2 =	sadd.s32 s2, s4;
	[dreg:$0x0] =	wrdreg $0x0  }
0xa8: {  	s4 =	sshll.u32 s28, $0x1;
	[dreg:$0x2] =	wrdreg s2  }
0xa9: {  	[dreg:$0x3] =	wrdreg s4  }
0xaa: {  	[dreg:$0x4] =	wrdreg $0xC0  }
0xab: {  	_ =	task [dreg:s6], $0x5FFFF  }
0xac: {  	[dreg:$0x1] =	wrdreg $0xFFFFFFFF  }
0xad: {  	[dreg:$0x0] =	wrdreg $0x60  }
0xae: {  	[dreg:$0x2] =	wrdreg s24  }
0xaf: {  	[dreg:$0x3] =	wrdreg $0x90000  }
0xb0: {  	[dreg:$0x4] =	wrdreg $0x9  }
0xb1: {  	_ =	task.clear_ibuf [dreg:s6], $0x5FFFF;
	_ =	strace $0x90000049  }
0xb2: {  	s29 =	simm.s32 $0x9;
	_ =	strace $0x8000004B  }
0xb3: {  	_ =	swait.ge [sflag:s29], $0x1  }
0xb4: {  	[sflag:s29] =	ssyncadd.s32 $0xFFFFFFFF  }
0xb5: {  	_ =	strace $0x9000004B  }
0xb6: {  	_ =	sfence  }
0xb7: {  	s30 =	sld [smem:$0x0];
	_ =	sdelay $0x2  }
0xb8: {  	s31 =	sshll.u32 s1, $0xD;
	s1 =	sshrl.u32 s1, $0x2  }
0xb9: {  	s3 =	sand.u32 $0x4000, s31;
	s1 =	sadd.s32 s1, s30  }
0xba: {  	s0 =	sor.u32 s3, s0;
	s1 =	sshll.u32 s1, $0x11  }
0xbb: {  	s0 =	sor.u32 s1, s0  }
0xbc: {  	s0 =	sadd.s32 $0x8F2B, s0  }
0xbd: {  	[sflag:s0] =	ssyncadd.remote.s32 $0x1  }
0xbe: {  	_ =	sfence.sel $0xFFFF  }
0xbf: {  	[dreg:$0x0] =	wrdreg $0xFFFFFFFF;
	(pc) =	sbr.abs _section_cstart, $3  }
0xc0: {  	[dreg:$0x1] =	wrdreg $0xFFFFFFFF  }
0xc1: {  	_ =	task.clear_ibuf [dreg:s6], $0x2FFFF;
	_ =	strace $0x9FFFFFFF  }
0xc2: {  	(tm) =	ssettm $0x7FFFFFFF  }
0xc3: {  	_ =	shalt  }
tec
execute0_lowered:
.L_overlay_start_1:
0x0: {  	(tag) =	ssettag $0x1  }
0x1: {  	s1 =	srdreg.scid;
	s8 =	rddreg [dreg:$0x0]  }
0x2: {  	s0 =	stileid.u32;
	s2 =	rddreg [dreg:$0x1];
	s3 =	simm.s32 $0x0  }
0x3: {  	s17 =	simm.s32 $0x80;
	s18 =	simm.s32 $0x5000;
	s19 =	simm.s32 $0x7000  }
0x4: {  	s20 =	simm.s32 $0x1;
	s21 =	simm.s32 $0x2;
	s22 =	simm.s32 $0x4F00  }
0x5: {  	s23 =	simm.s32 $0x4F80;
	s6 =	sand.u32 $0x1, s1;
	s1 =	rddreg [dreg:$0x2]  }
0x6: {  	s24 =	simm.s32 $0x0;
	s28 =	sshll.u32 s0, $0x1;
	[smem:$0x7FF] =	sst s3  }
0x7: {  	s9 =	smul.u32 $0x9E00, s0;
	s12 =	sadd.s32 $0x3D200, s8;
	s14 =	sadd.s32 $0x94200, s2  }
0x8: {  	p0 =	seq.s32 s0, $0xF;
	s4 =	sor.u32 s6, s28;
	_ =	strace $0x8000004A  }
0x9: {  	s10 =	ssub.s32 $0x2, s6;
	s31 =	smul.u32 $0x9C400, s6;
	s15 =	sshll.u32 @!p0 s0, $0x6  }
0xa: {  	s14 =	sshrl.u32 @p0 s14, $0x3;
	s5 =	smul.u32 $0x500, s4;
	s4 =	sadd.s32 $0x1E00, s8  }
0xb: {  	s29 =	sshrl.u32 s9, $0x3;
	s30 =	sshrl.u32 s10, $0x1;
	s16 =	sadd.s32 s9, s2  }
0xc: {  	s15 =	sor.u32 @!p0 $0x1C03, s15;
	s11 =	sadd.s32 s29, s8;
	s13 =	ssub.s32 s10, s30  }
0xd: {  	s9 =	sadd.s32 s9, s31;
	s10 =	sshrl.u32 s31, $0x3;
	s16 =	sshrl.u32 @!p0 s16, $0x3  }
0xe: {  	s7 =	sadd.s32 s5, s8;
	s8 =	sadd.s32 $0x3C040, s8;
	s9 =	sshrl.u32 s9, $0x3  }
0xf: {  	s10 =	sadd.s32 s12, s10;
	s5 =	sadd.s32 $0x1F800, s7;
	s6 =	sadd.s32 $0x15800, s7  }
0x10: {  	s7 =	sadd.s32 $0x29800, s11;
	s9 =	sadd.s32 s12, s9;
	s10 =	sadd.s32 $0x12840, s10  }
0x11: {  	s11 =	smax.u32 s13, $0x1;
	s12 =	simm.s32 $0x3;
	s13 =	simm.s32 $0x2800  }
.LBB2_1:
0x12: {  	[tilespmem:s3], [sflag:$0x3] =	stream.linear.gather [hbm4b:s5+s3], $0x2800, $0x38;
	[tilespmem:$0x12C60] =	vst v63  }
0x13: {  	_ =	swait.ge [sflag:s12], $0x2800  }
0x14: {  	[sflag:s12] =	ssyncset.done $0x0  }
0x15: {  	[sflag:s12] =	ssyncadd.s32 $0xFFFFD800  }
0x16: {  	[tilespmem:s13], [sflag:$0x3] =	stream.linear.gather [hbm4b:s6+s3], $0x2800, $0x38;
	[tilespmem:$0x12C60] =	vst v63  }
0x17: {  	_ =	swait.ge [sflag:s12], $0x2800  }
0x18: {  	[sflag:s12] =	ssyncset.done $0x0  }
0x19: {  	s25 =	simm.s32 @p0 $0x1FC3;
	[sflag:s12] =	ssyncadd.s32 $0xFFFFD800  }
0x1a: {  	[spmem:s14], [sflag:s25] =	dma.local @p0 [hbm:s8], $0x1080  }
0x1b: {  	s25 =	simm.s32 @p0 $0x3  }
0x1c: {  	_ =	swait.ge @p0 [sflag:s25], $0x1080  }
0x1d: {  	[sflag:s25] =	ssyncset.done @p0 $0x0  }
0x1e: {  	[sflag:s25] =	ssyncadd.s32 @p0 $0xFFFFEF80;
	s25 =	simm.s32 @!p0 $0x3  }
0x1f: {  	[spmem:s16], [sflag:s15] =	dma.local @!p0 [hbm:s7], $0x13C0  }
0x20: {  	_ =	swait.ge @!p0 [sflag:s25], $0x13C0  }
0x21: {  	[sflag:s25] =	ssyncset.done @!p0 $0x0  }
0x22: {  	[sflag:s25] =	ssyncadd.s32 @!p0 $0xFFFFEC40  }
0x23: {  	[bflag:$0x0] =	sbarrier.arrive $0xFFFF  }
0x24: {  	[tilespmem:s18], [sflag:$0x1] =	stream.indirect.gather [hbm4b:s4+s17], $0x40, s3, s17, $0xb8;
	[tilespmem:$0x12C60] =	vst v63  }
0x25: {  	_ = 	snop  }
0x26: {  	[tilespmem:s19], [sflag:$0x2] =	stream.indirect.gather [hbm4b:s4+s17], $0x40, s17, s17, $0xb8;
	[tilespmem:$0x12C60] =	vst v63  }
0x27: {  	_ =	swait.ge [sflag:s20], $0x2000  }
0x28: {  	[sflag:s20] =	ssyncset.done $0x0  }
0x29: {  	s29 =	simm.s32 $0x2800;
	[sflag:s20] =	ssyncadd.s32 $0xFFFFE000  }
0x2a: {  	[spmem:s2] =	stream.indirect.scatter.add.f32 [tilespmem:s18], [sflag:$0x3], $0x40, s29, s17, $0xb8;
	[tilespmem:$0x12C60] =	vst v63  }
0x2b: {  	_ =	swait.ge [sflag:s12], $0x2000  }
0x2c: {  	[sflag:s12] =	ssyncset.done $0x0  }
0x2d: {  	s30 =	simm.s32 $0x100;
	[sflag:s12] =	ssyncadd.s32 $0xFFFFE000  }
0x2e: {  	[tilespmem:s18], [sflag:$0x1] =	stream.indirect.gather [hbm4b:s4+s17], $0x40, s30, s17, $0xb8;
	[tilespmem:$0x12C60] =	vst v63  }
0x2f: {  	_ =	swait.ge [sflag:s21], $0x2000  }
0x30: {  	[sflag:s21] =	ssyncset.done $0x0  }
0x31: {  	s31 =	simm.s32 $0x2880;
	[sflag:s21] =	ssyncadd.s32 $0xFFFFE000  }
0x32: {  	[spmem:s2] =	stream.indirect.scatter.add.f32 [tilespmem:s19], [sflag:$0x3], $0x40, s31, s17, $0xb8;
	[tilespmem:$0x12C60] =	vst v63  }
0x33: {  	_ =	swait.ge [sflag:s12], $0x2000  }
0x34: {  	[sflag:s12] =	ssyncset.done $0x0  }
0x35: {  	s26 =	simm.s32 $0x180;
	s25 =	simm.s32 $0x400;
	[sflag:s12] =	ssyncadd.s32 $0xFFFFE000  }
.LBB2_2:
0x36: {  	[tilespmem:s19], [sflag:$0x2] =	stream.indirect.gather [hbm4b:s4+s17], $0x40, s26, s17, $0xb8;
	[tilespmem:$0x12C60] =	vst v63  }
0x37: {  	s26 =	smov.u32 s25  }
0x38: {  	p1 =	sne.s32 s25, $0x9800;
	s25 =	sadd.s32 $0x400, s25;
	_ =	swait.ge [sflag:s20], $0x2000  }
0x39: {  	s26 =	sshra.s32 s26, $0x2;
	[sflag:s20] =	ssyncset.done $0x0  }
0x3a: {  	s28 =	sadd.s32 $0x2800, s26;
	[sflag:s20] =	ssyncadd.s32 $0xFFFFE000  }
0x3b: {  	[spmem:s2] =	stream.indirect.scatter.add.f32 [tilespmem:s18], [sflag:$0x3], $0x40, s28, s17, $0xb8;
	[tilespmem:$0x12C60] =	vst v63  }
0x3c: {  	_ =	swait.ge [sflag:s12], $0x2000  }
0x3d: {  	[sflag:s12] =	ssyncset.done $0x0  }
0x3e: {  	s28 =	sadd.s32 $0x100, s26;
	[sflag:s12] =	ssyncadd.s32 $0xFFFFE000  }
0x3f: {  	[tilespmem:s18], [sflag:$0x1] =	stream.indirect.gather [hbm4b:s4+s17], $0x40, s28, s17, $0xb8;
	[tilespmem:$0x12C60] =	vst v63  }
0x40: {  	_ =	swait.ge [sflag:s21], $0x2000  }
0x41: {  	[sflag:s21] =	ssyncset.done $0x0  }
.Ltmp0:
0x42: {  	s28 =	sadd.s32 $0x2880, s26;
	[sflag:s21] =	ssyncadd.s32 $0xFFFFE000;
	(pc) =	sbr.rel @p1 .LBB2_2-.Ltmp0, $4  }
0x43: {  	[spmem:s2] =	stream.indirect.scatter.add.f32 [tilespmem:s19], [sflag:$0x3], $0x40, s28, s17, $0xb8;
	[tilespmem:$0x12C60] =	vst v63  }
0x44: {  	_ =	swait.ge [sflag:s12], $0x2000  }
0x45: {  	[sflag:s12] =	ssyncset.done $0x0  }
0x46: {  	s26 =	sadd.s32 $0x180, s26;
	[sflag:s12] =	ssyncadd.s32 $0xFFFFE000  }
0x47: {  	[tilespmem:s19], [sflag:$0x2] =	stream.indirect.gather [hbm4b:s4+s17], $0x40, s26, s17, $0xb8;
	[tilespmem:$0x12C60] =	vst v63  }
0x48: {  	_ =	swait.ge [sflag:s20], $0x2000  }
0x49: {  	[sflag:s20] =	ssyncset.done $0x0  }
0x4a: {  	[sflag:s20] =	ssyncadd.s32 $0xFFFFE000  }
0x4b: {  	[spmem:s2] =	stream.indirect.scatter.add.f32 [tilespmem:s18], [sflag:$0x3], $0x40, s22, s17, $0xb8;
	[tilespmem:$0x12C60] =	vst v63  }
0x4c: {  	_ =	swait.ge [sflag:s12], $0x2000  }
0x4d: {  	[sflag:s12] =	ssyncset.done $0x0  }
0x4e: {  	[sflag:s12] =	ssyncadd.s32 $0xFFFFE000  }
0x4f: {  	_ =	swait.ge [sflag:s21], $0x2000  }
0x50: {  	[sflag:s21] =	ssyncset.done $0x0  }
0x51: {  	[sflag:s21] =	ssyncadd.s32 $0xFFFFE000  }
0x52: {  	[spmem:s2] =	stream.indirect.scatter.add.f32 [tilespmem:s19], [sflag:$0x3], $0x40, s23, s17, $0xb8;
	[tilespmem:$0x12C60] =	vst v63  }
0x53: {  	_ =	swait.ge [sflag:s12], $0x2000  }
0x54: {  	[sflag:s12] =	ssyncset.done $0x0  }
0x55: {  	[sflag:s12] =	ssyncadd.s32 $0xFFFFE000  }
0x56: {  	s25 =	simm.s32 @p0 $0x1FC3;
	[bflag:$0x0] =	sbarrier.arrive $0xFFFF  }
0x57: {  	[hbm:s10], [sflag:s25] =	dma.local @p0 [spmem:s14], $0x1040  }
0x58: {  	s25 =	simm.s32 @p0 $0x3  }
0x59: {  	s24 =	sadd.s32 $0x1, s24;
	_ =	swait.ge @p0 [sflag:s25], $0x1040  }
0x5a: {  	p1 =	sne.s32 s24, s11;
	[sflag:s25] =	ssyncset.done @p0 $0x0  }
.Ltmp1:
0x5b: {  	[sflag:s25] =	ssyncadd.s32 @p0 $0xFFFFEFC0;
	s25 =	simm.s32 @!p0 $0x3;
	(pc) =	sbr.rel @p1 .LBB2_1-.Ltmp1, $4  }
0x5c: {  	[hbm:s9], [sflag:s15] =	dma.local @!p0 [spmem:s16], $0x13C0  }
0x5d: {  	_ =	swait.ge @!p0 [sflag:s25], $0x13C0  }
0x5e: {  	[sflag:s25] =	ssyncset.done @!p0 $0x0  }
0x5f: {  	[sflag:s25] =	ssyncadd.s32 @!p0 $0xFFFFEC40  }
0x60: {  	_ =	sfence.sel $0x180000  }
0x61: {  	[bflag:$0x0] =	sbarrier.arrive $0xFFFF  }
0x62: {  	p0 =	sne.s32 s0, $0x0;
	_ =	strace $0x9000004A  }
0x63: {  	s0 =	sadd.s32 @!p0 $0x100000, s1;
	[bflag:$0x2] =	sbarrier.arrive $0xFFFF  }
0x64: {  	[sflag:s0] =	ssyncadd.tile.s32 @!p0 $0x1;
	_ =	shalt  }
.Lfunc_end2:
_tile_overlayer_lowered:
.L_overlay_start_2:
0x65: {  	(tag) =	ssettag $0x2  }
0x66: {  	s0 =	rddreg [dreg:$0x0];
	s2 =	stileid.u32  }
0x67: {  	s1 =	rddreg [dreg:$0x1];
	p0 =	sne.s32 s2, $0x0  }
0x68: {  	s3 =	rddreg [dreg:$0x2];
	[bflag:$0x3] =	sbarrier.arrive $0xFFFF;
	s2 =	simm.s32 @!p0 $0x1C03  }
0x69: {  	[timem:s3], [sflag:s2] =	dma.local @!p0 [hbm:s0], s1  }
0x6a: {  	s0 =	simm.s32 @!p0 $0x3  }
0x6b: {  	_ =	swait.ge @!p0 [sflag:s0], s1  }
0x6c: {  	s1 =	ssub.s32 @!p0 $0x0, s1;
	[sflag:s0] =	ssyncset.done @!p0 $0x0  }
0x6d: {  	[sflag:s0] =	ssyncadd.s32 @!p0 s1  }
0x6e: {  	[bflag:$0x3] =	sbarrier.arrive $0xFFFF  }
0x6f: {  	_ =	shalt  }

// kernel: kernel.15.cloned.1.call-start
scs
__scs_entry_jumppad:
0x0: {  	(pc) =	sbr.rel $0x88, $3  }
0x1: {  	(tag) =	ssettag $0x0;
	lr =	simm.s32 $0x1  }
0x2: {  	[smem:$0x3F95] =	sst lr;
	_ =	strace $0xD0000000  }
0x3: {  	_ = 	snop  }
0x4: {  	_ = 	snop  }
0x5: {  	_ = 	snop  }
0x6: {  	_ = 	snop  }
0x7: {  	_ = 	snop  }
__scs_overlays_trampoline_lowered:
0x8: {  	[smem:$0x3FA4] =	sst s0  }
0x9: {  	[smem:$0x3FA5] =	sst s1  }
0xa: {  	[smem:$0x3FA6] =	sst s2  }
0xb: {  	[smem:$0x3FA7] =	sst s3  }
0xc: {  	[smem:$0x3FA8] =	sst s4  }
0xd: {  	[smem:$0x3FA9] =	sst s5  }
0xe: {  	[smem:$0x3FAA] =	sst s6  }
0xf: {  	[smem:$0x3FAB] =	sst s7  }
0x10: {  	[smem:$0x3FAC] =	sst s8  }
0x11: {  	[smem:$0x3FAD] =	sst s9;
	s0 =	simm.s32 @!p0 $0x0  }
0x12: {  	s1 =	sld [smem:$0x3F93];
	s0 =	simm.s32 @p0 $0x1  }
0x13: {  	[smem:$0x3FAE] =	sst s0;
	s0 =	simm.s32 @!p1 $0x0  }
0x14: {  	s2 =	sld [smem:$0x3F92];
	s0 =	simm.s32 @p1 $0x1  }
0x15: {  	[smem:$0x3FAF] =	sst s0;
	s0 =	simm.s32 @!p2 $0x0  }
0x16: {  	s3 =	sld [smem:$0x3FDB];
	s0 =	simm.s32 @p2 $0x1  }
0x17: {  	s4 =	simm.s32 $0x1BF5;
	[smem:$0x3FB1] =	sst s0  }
0x18: {  	s0 =	sld [smem:$0x3F94];
	_ =	swait.ge [sflag:s4], $0x0  }
0x19: {  	s7 =	sld [smem:$0x3F95]  }
0x1a: {  	s8 =	sadd.s32 $0xFFFFE003, lr  }
0x1b: {  	s9 =	sadd.s32 $0xFFFFFEF7, lr;
	s5 =	simm.s32 $0xFFFFFFFF;
	p2 =	slt.u32 s8, $0xFFFFF086  }
0x1c: {  	p1 =	slt.u32 s9, $0xF7A;
	s5 =	simm.s32 @!p2 $0x0  }
0x1d: {  	s5 =	simm.s32 @p1 $0x1;
	p0 =	seq.s32 s7, s2  }
0x1e: {  	s7 =	smul.u32 @!p0 $0xF7A, s2;
	p2 =	seq.s32 @!p0 s5, $0x0  }
0x1f: {  	s9 =	smul.u32 $0xF7A, s1;
	s8 =	simm.s32 @!p0 $0x1BF5;
	p2 =	por !p2, p0  }
0x20: {  	[sflag:s8] =	ssyncset.s32 @!p0 $0xFFFFF086;
	s6 =	sadd.s32 @!p0 s3, s7;
	s7 =	simm.s32 @!p0 $0x108  }
0x21: {  	s3 =	sadd.s32 s3, s9;
	s6 =	sadd.s32 @!p0 $0x88, s6;
	s7 =	simm.s32 @p2 $0x1082  }
0x22: {  	[simem:s7], [sflag:s8] =	dma.local @!p0 [hbm:s6], $0xF7A  }
0x23: {  	s9 =	sor.u32 $0xD0000000, s2;
	s6 =	simm.s32 $0x108;
	_ =	swait.ge @!p0 [sflag:s8], $0x0  }
0x24: {  	s3 =	sadd.s32 $0x88, s3;
	s6 =	simm.s32 @!p1 $0x1082;
	[sflag:s4] =	ssyncset.s32 $0xFFFFF086  }
0x25: {  	[simem:s6], [sflag:s4] =	dma.local [hbm:s3], $0xF7A  }
0x26: {  	[smem:$0x3F95] =	sst s1;
	(tag) =	ssettag s2;
	_ =	strace s9  }
0x27: {  	s1 =	sld [smem:$0x3FA5]  }
0x28: {  	s2 =	sld [smem:$0x3FA6]  }
0x29: {  	s4 =	sld [smem:$0x3FA8]  }
0x2a: {  	p0 =	seq.s32 s5, $0x0;
	s5 =	sld [smem:$0x3FA9]  }
0x2b: {  	s6 =	sld [smem:$0x3FAA]  }
0x2c: {  	s7 =	sld [smem:$0x3FAB]  }
0x2d: {  	s3 =	simm.s32 $0x108;
	s8 =	sld [smem:$0x3FAC]  }
0x2e: {  	s3 =	simm.s32 @!p0 $0x1082;
	s9 =	sld [smem:$0x3FAD]  }
0x2f: {  	lr =	sadd.s32 s0, s3;
	s0 =	sld [smem:$0x3FA4]  }
0x30: {  	s3 =	sld [smem:$0x3FA7]  }
0x31: {  	[smem:$0x3FB0] =	sst s10  }
0x32: {  	s10 =	sld [smem:$0x3FAE];
	_ =	sdelay $0x3  }
0x33: {  	p0 =	seq.s32 s10, $0x1;
	s10 =	sld [smem:$0x3FB0];
	_ =	sdelay $0x3  }
0x34: {  	[smem:$0x3FB0] =	sst s10  }
0x35: {  	s10 =	sld [smem:$0x3FAF];
	_ =	sdelay $0x3  }
0x36: {  	p1 =	seq.s32 s10, $0x1;
	s10 =	sld [smem:$0x3FB0];
	_ =	sdelay $0x3  }
0x37: {  	[smem:$0x3FB0] =	sst s10  }
0x38: {  	s10 =	sld [smem:$0x3FB1]  }
0x39: {  	_ = 	snop;
	(pc) =	sbr.ind lr, $3  }
0x3a: {  	_ = 	snop  }
0x3b: {  	_ = 	snop  }
0x3c: {  	p2 =	seq.s32 s10, $0x1;
	s10 =	sld [smem:$0x3FB0]  }
0x3d: {  	_ =	shalt  }
0x3e: {  	_ =	shalt  }
0x3f: {  	_ =	shalt  }
0x40: {  	_ =	shalt  }
0x41: {  	_ =	shalt  }
0x42: {  	_ =	shalt  }
0x43: {  	_ =	shalt  }
0x44: {  	_ =	shalt  }
0x45: {  	_ =	shalt  }
0x46: {  	_ =	shalt  }
0x47: {  	_ =	shalt  }
0x48: {  	_ =	shalt  }
0x49: {  	_ =	shalt  }
0x4a: {  	_ =	shalt  }
0x4b: {  	_ =	shalt  }
0x4c: {  	_ =	shalt  }
0x4d: {  	_ =	shalt  }
0x4e: {  	_ =	shalt  }
0x4f: {  	_ =	shalt  }
0x50: {  	_ =	shalt  }
0x51: {  	_ =	shalt  }
0x52: {  	_ =	shalt  }
0x53: {  	_ =	shalt  }
0x54: {  	_ =	shalt  }
0x55: {  	_ =	shalt  }
0x56: {  	_ =	shalt  }
0x57: {  	_ =	shalt  }
0x58: {  	_ =	shalt  }
0x59: {  	_ =	shalt  }
0x5a: {  	_ =	shalt  }
0x5b: {  	_ =	shalt  }
0x5c: {  	_ =	shalt  }
0x5d: {  	_ =	shalt  }
0x5e: {  	_ =	shalt  }
0x5f: {  	_ =	shalt  }
0x60: {  	_ =	shalt  }
0x61: {  	_ =	shalt  }
0x62: {  	_ =	shalt  }
0x63: {  	_ =	shalt  }
0x64: {  	_ =	shalt  }
0x65: {  	_ =	shalt  }
0x66: {  	_ =	shalt  }
0x67: {  	_ =	shalt  }
0x68: {  	_ =	shalt  }
0x69: {  	_ =	shalt  }
0x6a: {  	_ =	shalt  }
0x6b: {  	_ =	shalt  }
0x6c: {  	_ =	shalt  }
0x6d: {  	_ =	shalt  }
0x6e: {  	_ =	shalt  }
0x6f: {  	_ =	shalt  }
0x70: {  	_ =	shalt  }
0x71: {  	_ =	shalt  }
0x72: {  	_ =	shalt  }
0x73: {  	_ =	shalt  }
0x74: {  	_ =	shalt  }
0x75: {  	_ =	shalt  }
0x76: {  	_ =	shalt  }
0x77: {  	_ =	shalt  }
0x78: {  	_ =	shalt  }
0x79: {  	_ =	shalt  }
0x7a: {  	_ =	shalt  }
0x7b: {  	_ =	shalt  }
0x7c: {  	_ =	shalt  }
0x7d: {  	_ =	shalt  }
0x7e: {  	_ =	shalt  }
0x7f: {  	_ =	shalt  }
0x80: {  	_ =	shalt  }
0x81: {  	_ =	shalt  }
0x82: {  	_ =	shalt  }
0x83: {  	_ =	shalt  }
0x84: {  	_ =	shalt  }
0x85: {  	_ =	shalt  }
0x86: {  	_ =	shalt  }
0x87: {  	_ =	shalt  }
.Lfunc_end0:
.L_simem_size_0:
called_computation.2_lowered:
.L_overlay_start_0:
0x88: {  	s2 =	sld [smem:$0x3FD9]  }
0x89: {  	s3 =	sld [smem:$0x3FFE];
	_ =	sdelay $0x1  }
0x8a: {  	s1 =	srdreg.scid  }
0x8b: {  	s0 =	sand.u32 $0x1, s1  }
0x8c: {  	s16 =	sshll.u32 s0, $0xA;
	s2 =	sadd.s32 s3, s2  }
0x8d: {  	s2 =	sadd.s32 s2, s16  }
0x8e: {  	[smem:$0x3FBC] =	sst s2  }
0x8f: {  	_ = 	snop  }
0x90: {  	(tm) =	ssettm $0x1  }
0x91: {  	s17 =	sld [smem:$0x3FFB];
	_ =	sdelay $0x3  }
0x92: {  	_ =	strace s17  }
0x93: {  	s2 =	sld [smem:$0x3FFC];
	_ =	sdelay $0x3  }
0x94: {  	_ =	strace s2  }
0x95: {  	s2 =	sld [smem:$0x3FFD];
	_ =	sdelay $0x3  }
0x96: {  	_ =	strace s2  }
0x97: {  	_ =	strace $0x8FFFFFFF  }
0x98: {  	s18 =	sld [smem:$0x3FDB];
	_ =	sdelay $0x1  }
0x99: {  	s19 =	simm.s32 $_scs_section_size  }
0x9a: {  	s4 =	simm.s32 $_size__tile_overlayer_lowered;
	s5 =	simm.s32 $_tile_overlayer_lowered  }
0x9b: {  	s22 =	simm.s32 $0x1BFF;
	s21 =	sshll.u32 s5, $0x1;
	s2 =	sadd.s32 s19, s18  }
0x9c: {  	s6 =	simm.s32 $0x0;
	s20 =	sshll.u32 s4, $0x1;
	s4 =	sadd.s32 s21, s2  }
0x9d: {  	[timem:s6], [sflag:s22] =	dma.local [hbm:s4], s20  }
0x9e: {  	_ =	swait.ge [sflag:s22], s20  }
0x9f: {  	s3 =	ssub.s32 $0x0, s20;
	[sflag:s22] =	ssyncset.done $0x0  }
0xa0: {  	[sflag:s22] =	ssyncadd.s32 s3;
	_ =	sdelay $0x1  }
0xa1: {  	s23 =	simm.s32 $0x1B8B  }
0xa2: {  	_ =	swait.ge [sflag:s23], $0x1  }
0xa3: {  	[sflag:s23] =	ssyncset.done $0x0  }
0xa4: {  	s25 =	simm.s32 $0x1B8E;
	s24 =	sld [smem:$0x3FFE];
	[sflag:s23] =	ssyncadd.s32 $0xFFFFFFFF  }
0xa5: {  	s26 =	simm.s32 $execute0_lowered;
	[smem:$0x3FD2] =	sst s25  }
0xa6: {  	s4 =	sshll.u32 s26, $0x1;
	_ =	strace $0x8000004C;
	[dreg:$0x1] =	wrdreg $0xFFFFFFFF  }
0xa7: {  	s28 =	simm.s32 $_size_execute0_lowered;
	s2 =	sadd.s32 s2, s4;
	[dreg:$0x0] =	wrdreg $0x0  }
0xa8: {  	s4 =	sshll.u32 s28, $0x1;
	[dreg:$0x2] =	wrdreg s2  }
0xa9: {  	[dreg:$0x3] =	wrdreg s4  }
0xaa: {  	[dreg:$0x4] =	wrdreg $0xC0  }
0xab: {  	_ =	task [dreg:s6], $0x5FFFF  }
0xac: {  	[dreg:$0x1] =	wrdreg $0xFFFFFFFF  }
0xad: {  	[dreg:$0x0] =	wrdreg $0x60  }
0xae: {  	[dreg:$0x2] =	wrdreg s24  }
0xaf: {  	[dreg:$0x3] =	wrdreg $0x90000  }
0xb0: {  	[dreg:$0x4] =	wrdreg $0x9  }
0xb1: {  	_ =	task.clear_ibuf [dreg:s6], $0x5FFFF;
	_ =	strace $0x9000004C  }
0xb2: {  	s29 =	simm.s32 $0x9;
	_ =	strace $0x8000004E  }
0xb3: {  	_ =	swait.ge [sflag:s29], $0x1  }
0xb4: {  	[sflag:s29] =	ssyncadd.s32 $0xFFFFFFFF  }
0xb5: {  	_ =	strace $0x9000004E  }
0xb6: {  	_ =	sfence  }
0xb7: {  	s30 =	sld [smem:$0x0];
	_ =	sdelay $0x2  }
0xb8: {  	s31 =	sshll.u32 s1, $0xD;
	s1 =	sshrl.u32 s1, $0x2  }
0xb9: {  	s3 =	sand.u32 $0x4000, s31;
	s1 =	sadd.s32 s1, s30  }
0xba: {  	s0 =	sor.u32 s3, s0;
	s1 =	sshll.u32 s1, $0x11  }
0xbb: {  	s0 =	sor.u32 s1, s0  }
0xbc: {  	s0 =	sadd.s32 $0x8F2B, s0  }
0xbd: {  	[sflag:s0] =	ssyncadd.remote.s32 $0x1  }
0xbe: {  	_ =	sfence.sel $0xFFFF  }
0xbf: {  	[dreg:$0x0] =	wrdreg $0xFFFFFFFF;
	(pc) =	sbr.abs _section_cstart, $3  }
0xc0: {  	[dreg:$0x1] =	wrdreg $0xFFFFFFFF  }
0xc1: {  	_ =	task.clear_ibuf [dreg:s6], $0x2FFFF;
	_ =	strace $0x9FFFFFFF  }
0xc2: {  	(tm) =	ssettm $0x7FFFFFFF  }
0xc3: {  	_ =	shalt  }
tec
execute0_lowered:
.L_overlay_start_1:
0x0: {  	(tag) =	ssettag $0x1  }
0x1: {  	s1 =	srdreg.scid;
	s8 =	rddreg [dreg:$0x0]  }
0x2: {  	s0 =	stileid.u32;
	s2 =	rddreg [dreg:$0x1];
	s3 =	simm.s32 $0x0  }
0x3: {  	s17 =	simm.s32 $0x80;
	s18 =	simm.s32 $0x5000;
	s19 =	simm.s32 $0x7000  }
0x4: {  	s20 =	simm.s32 $0x1;
	s21 =	simm.s32 $0x2;
	s22 =	simm.s32 $0x4F00  }
0x5: {  	s23 =	simm.s32 $0x4F80;
	s6 =	sand.u32 $0x1, s1;
	s1 =	rddreg [dreg:$0x2]  }
0x6: {  	s24 =	simm.s32 $0x0;
	s28 =	sshll.u32 s0, $0x1;
	[smem:$0x7FF] =	sst s3  }
0x7: {  	s9 =	smul.u32 $0x9E00, s0;
	s12 =	sadd.s32 $0x3D200, s8;
	s14 =	sadd.s32 $0x94200, s2  }
0x8: {  	p0 =	seq.s32 s0, $0xF;
	s4 =	sor.u32 s6, s28;
	_ =	strace $0x8000004D  }
0x9: {  	s10 =	ssub.s32 $0x2, s6;
	s31 =	smul.u32 $0x9C400, s6;
	s15 =	sshll.u32 @!p0 s0, $0x6  }
0xa: {  	s14 =	sshrl.u32 @p0 s14, $0x3;
	s5 =	smul.u32 $0x500, s4;
	s4 =	sadd.s32 $0x1E00, s8  }
0xb: {  	s29 =	sshrl.u32 s9, $0x3;
	s30 =	sshrl.u32 s10, $0x1;
	s16 =	sadd.s32 s9, s2  }
0xc: {  	s15 =	sor.u32 @!p0 $0x1C03, s15;
	s11 =	sadd.s32 s29, s8;
	s13 =	ssub.s32 s10, s30  }
0xd: {  	s9 =	sadd.s32 s9, s31;
	s10 =	sshrl.u32 s31, $0x3;
	s16 =	sshrl.u32 @!p0 s16, $0x3  }
0xe: {  	s7 =	sadd.s32 s5, s8;
	s8 =	sadd.s32 $0x3C040, s8;
	s9 =	sshrl.u32 s9, $0x3  }
0xf: {  	s10 =	sadd.s32 s12, s10;
	s5 =	sadd.s32 $0x1F800, s7;
	s6 =	sadd.s32 $0x15800, s7  }
0x10: {  	s7 =	sadd.s32 $0x29800, s11;
	s9 =	sadd.s32 s12, s9;
	s10 =	sadd.s32 $0x12840, s10  }
0x11: {  	s11 =	smax.u32 s13, $0x1;
	s12 =	simm.s32 $0x3;
	s13 =	simm.s32 $0x2800  }
.LBB2_1:
0x12: {  	[tilespmem:s3], [sflag:$0x3] =	stream.linear.gather [hbm4b:s5+s3], $0x2800, $0x38;
	[tilespmem:$0x12C60] =	vst v63  }
0x13: {  	_ =	swait.ge [sflag:s12], $0x2800  }
0x14: {  	[sflag:s12] =	ssyncset.done $0x0  }
0x15: {  	[sflag:s12] =	ssyncadd.s32 $0xFFFFD800  }
0x16: {  	[tilespmem:s13], [sflag:$0x3] =	stream.linear.gather [hbm4b:s6+s3], $0x2800, $0x38;
	[tilespmem:$0x12C60] =	vst v63  }
0x17: {  	_ =	swait.ge [sflag:s12], $0x2800  }
0x18: {  	[sflag:s12] =	ssyncset.done $0x0  }
0x19: {  	s25 =	simm.s32 @p0 $0x1FC3;
	[sflag:s12] =	ssyncadd.s32 $0xFFFFD800  }
0x1a: {  	[spmem:s14], [sflag:s25] =	dma.local @p0 [hbm:s8], $0x1080  }
0x1b: {  	s25 =	simm.s32 @p0 $0x3  }
0x1c: {  	_ =	swait.ge @p0 [sflag:s25], $0x1080  }
0x1d: {  	[sflag:s25] =	ssyncset.done @p0 $0x0  }
0x1e: {  	[sflag:s25] =	ssyncadd.s32 @p0 $0xFFFFEF80;
	s25 =	simm.s32 @!p0 $0x3  }
0x1f: {  	[spmem:s16], [sflag:s15] =	dma.local @!p0 [hbm:s7], $0x13C0  }
0x20: {  	_ =	swait.ge @!p0 [sflag:s25], $0x13C0  }
0x21: {  	[sflag:s25] =	ssyncset.done @!p0 $0x0  }
0x22: {  	[sflag:s25] =	ssyncadd.s32 @!p0 $0xFFFFEC40  }
0x23: {  	[bflag:$0x0] =	sbarrier.arrive $0xFFFF  }
0x24: {  	[tilespmem:s18], [sflag:$0x1] =	stream.indirect.gather [hbm4b:s4+s17], $0x40, s3, s17, $0xb8;
	[tilespmem:$0x12C60] =	vst v63  }
0x25: {  	_ = 	snop  }
0x26: {  	[tilespmem:s19], [sflag:$0x2] =	stream.indirect.gather [hbm4b:s4+s17], $0x40, s17, s17, $0xb8;
	[tilespmem:$0x12C60] =	vst v63  }
0x27: {  	_ =	swait.ge [sflag:s20], $0x2000  }
0x28: {  	[sflag:s20] =	ssyncset.done $0x0  }
0x29: {  	s29 =	simm.s32 $0x2800;
	[sflag:s20] =	ssyncadd.s32 $0xFFFFE000  }
0x2a: {  	[spmem:s2] =	stream.indirect.scatter.add.f32 [tilespmem:s18], [sflag:$0x3], $0x40, s29, s17, $0xb8;
	[tilespmem:$0x12C60] =	vst v63  }
0x2b: {  	_ =	swait.ge [sflag:s12], $0x2000  }
0x2c: {  	[sflag:s12] =	ssyncset.done $0x0  }
0x2d: {  	s30 =	simm.s32 $0x100;
	[sflag:s12] =	ssyncadd.s32 $0xFFFFE000  }
0x2e: {  	[tilespmem:s18], [sflag:$0x1] =	stream.indirect.gather [hbm4b:s4+s17], $0x40, s30, s17, $0xb8;
	[tilespmem:$0x12C60] =	vst v63  }
0x2f: {  	_ =	swait.ge [sflag:s21], $0x2000  }
0x30: {  	[sflag:s21] =	ssyncset.done $0x0  }
0x31: {  	s31 =	simm.s32 $0x2880;
	[sflag:s21] =	ssyncadd.s32 $0xFFFFE000  }
0x32: {  	[spmem:s2] =	stream.indirect.scatter.add.f32 [tilespmem:s19], [sflag:$0x3], $0x40, s31, s17, $0xb8;
	[tilespmem:$0x12C60] =	vst v63  }
0x33: {  	_ =	swait.ge [sflag:s12], $0x2000  }
0x34: {  	[sflag:s12] =	ssyncset.done $0x0  }
0x35: {  	s26 =	simm.s32 $0x180;
	s25 =	simm.s32 $0x400;
	[sflag:s12] =	ssyncadd.s32 $0xFFFFE000  }
.LBB2_2:
0x36: {  	[tilespmem:s19], [sflag:$0x2] =	stream.indirect.gather [hbm4b:s4+s17], $0x40, s26, s17, $0xb8;
	[tilespmem:$0x12C60] =	vst v63  }
0x37: {  	s26 =	smov.u32 s25  }
0x38: {  	p1 =	sne.s32 s25, $0x9800;
	s25 =	sadd.s32 $0x400, s25;
	_ =	swait.ge [sflag:s20], $0x2000  }
0x39: {  	s26 =	sshra.s32 s26, $0x2;
	[sflag:s20] =	ssyncset.done $0x0  }
0x3a: {  	s28 =	sadd.s32 $0x2800, s26;
	[sflag:s20] =	ssyncadd.s32 $0xFFFFE000  }
0x3b: {  	[spmem:s2] =	stream.indirect.scatter.add.f32 [tilespmem:s18], [sflag:$0x3], $0x40, s28, s17, $0xb8;
	[tilespmem:$0x12C60] =	vst v63  }
0x3c: {  	_ =	swait.ge [sflag:s12], $0x2000  }
0x3d: {  	[sflag:s12] =	ssyncset.done $0x0  }
0x3e: {  	s28 =	sadd.s32 $0x100, s26;
	[sflag:s12] =	ssyncadd.s32 $0xFFFFE000  }
0x3f: {  	[tilespmem:s18], [sflag:$0x1] =	stream.indirect.gather [hbm4b:s4+s17], $0x40, s28, s17, $0xb8;
	[tilespmem:$0x12C60] =	vst v63  }
0x40: {  	_ =	swait.ge [sflag:s21], $0x2000  }
0x41: {  	[sflag:s21] =	ssyncset.done $0x0  }
.Ltmp0:
0x42: {  	s28 =	sadd.s32 $0x2880, s26;
	[sflag:s21] =	ssyncadd.s32 $0xFFFFE000;
	(pc) =	sbr.rel @p1 .LBB2_2-.Ltmp0, $4  }
0x43: {  	[spmem:s2] =	stream.indirect.scatter.add.f32 [tilespmem:s19], [sflag:$0x3], $0x40, s28, s17, $0xb8;
	[tilespmem:$0x12C60] =	vst v63  }
0x44: {  	_ =	swait.ge [sflag:s12], $0x2000  }
0x45: {  	[sflag:s12] =	ssyncset.done $0x0  }
0x46: {  	s26 =	sadd.s32 $0x180, s26;
	[sflag:s12] =	ssyncadd.s32 $0xFFFFE000  }
0x47: {  	[tilespmem:s19], [sflag:$0x2] =	stream.indirect.gather [hbm4b:s4+s17], $0x40, s26, s17, $0xb8;
	[tilespmem:$0x12C60] =	vst v63  }
0x48: {  	_ =	swait.ge [sflag:s20], $0x2000  }
0x49: {  	[sflag:s20] =	ssyncset.done $0x0  }
0x4a: {  	[sflag:s20] =	ssyncadd.s32 $0xFFFFE000  }
0x4b: {  	[spmem:s2] =	stream.indirect.scatter.add.f32 [tilespmem:s18], [sflag:$0x3], $0x40, s22, s17, $0xb8;
	[tilespmem:$0x12C60] =	vst v63  }
0x4c: {  	_ =	swait.ge [sflag:s12], $0x2000  }
0x4d: {  	[sflag:s12] =	ssyncset.done $0x0  }
0x4e: {  	[sflag:s12] =	ssyncadd.s32 $0xFFFFE000  }
0x4f: {  	_ =	swait.ge [sflag:s21], $0x2000  }
0x50: {  	[sflag:s21] =	ssyncset.done $0x0  }
0x51: {  	[sflag:s21] =	ssyncadd.s32 $0xFFFFE000  }
0x52: {  	[spmem:s2] =	stream.indirect.scatter.add.f32 [tilespmem:s19], [sflag:$0x3], $0x40, s23, s17, $0xb8;
	[tilespmem:$0x12C60] =	vst v63  }
0x53: {  	_ =	swait.ge [sflag:s12], $0x2000  }
0x54: {  	[sflag:s12] =	ssyncset.done $0x0  }
0x55: {  	[sflag:s12] =	ssyncadd.s32 $0xFFFFE000  }
0x56: {  	s25 =	simm.s32 @p0 $0x1FC3;
	[bflag:$0x0] =	sbarrier.arrive $0xFFFF  }
0x57: {  	[hbm:s10], [sflag:s25] =	dma.local @p0 [spmem:s14], $0x1040  }
0x58: {  	s25 =	simm.s32 @p0 $0x3  }
0x59: {  	s24 =	sadd.s32 $0x1, s24;
	_ =	swait.ge @p0 [sflag:s25], $0x1040  }
0x5a: {  	p1 =	sne.s32 s24, s11;
	[sflag:s25] =	ssyncset.done @p0 $0x0  }
.Ltmp1:
0x5b: {  	[sflag:s25] =	ssyncadd.s32 @p0 $0xFFFFEFC0;
	s25 =	simm.s32 @!p0 $0x3;
	(pc) =	sbr.rel @p1 .LBB2_1-.Ltmp1, $4  }
0x5c: {  	[hbm:s9], [sflag:s15] =	dma.local @!p0 [spmem:s16], $0x13C0  }
0x5d: {  	_ =	swait.ge @!p0 [sflag:s25], $0x13C0  }
0x5e: {  	[sflag:s25] =	ssyncset.done @!p0 $0x0  }
0x5f: {  	[sflag:s25] =	ssyncadd.s32 @!p0 $0xFFFFEC40  }
0x60: {  	_ =	sfence.sel $0x180000  }
0x61: {  	[bflag:$0x0] =	sbarrier.arrive $0xFFFF  }
0x62: {  	p0 =	sne.s32 s0, $0x0;
	_ =	strace $0x9000004D  }
0x63: {  	s0 =	sadd.s32 @!p0 $0x100000, s1;
	[bflag:$0x2] =	sbarrier.arrive $0xFFFF  }
0x64: {  	[sflag:s0] =	ssyncadd.tile.s32 @!p0 $0x1;
	_ =	shalt  }
.Lfunc_end2:
_tile_overlayer_lowered:
.L_overlay_start_2:
0x65: {  	(tag) =	ssettag $0x2  }
0x66: {  	s0 =	rddreg [dreg:$0x0];
	s2 =	stileid.u32  }
0x67: {  	s1 =	rddreg [dreg:$0x1];
	p0 =	sne.s32 s2, $0x0  }
0x68: {  	s3 =	rddreg [dreg:$0x2];
	[bflag:$0x3] =	sbarrier.arrive $0xFFFF;
	s2 =	simm.s32 @!p0 $0x1C03  }
0x69: {  	[timem:s3], [sflag:s2] =	dma.local @!p0 [hbm:s0], s1  }
0x6a: {  	s0 =	simm.s32 @!p0 $0x3  }
0x6b: {  	_ =	swait.ge @!p0 [sflag:s0], s1  }
0x6c: {  	s1 =	ssub.s32 @!p0 $0x0, s1;
	[sflag:s0] =	ssyncset.done @!p0 $0x0  }
0x6d: {  	[sflag:s0] =	ssyncadd.s32 @!p0 s1  }
0x6e: {  	[bflag:$0x3] =	sbarrier.arrive $0xFFFF  }
0x6f: {  	_ =	shalt  }

// kernel: kernel.9.cloned.1.call-start
scs
__scs_entry_jumppad:
0x0: {  	(pc) =	sbr.rel $0x88, $3  }
0x1: {  	(tag) =	ssettag $0x0;
	lr =	simm.s32 $0x1  }
0x2: {  	[smem:$0x3F95] =	sst lr;
	_ =	strace $0xD0000000  }
0x3: {  	_ = 	snop  }
0x4: {  	_ = 	snop  }
0x5: {  	_ = 	snop  }
0x6: {  	_ = 	snop  }
0x7: {  	_ = 	snop  }
__scs_overlays_trampoline_lowered:
0x8: {  	[smem:$0x3FA4] =	sst s0  }
0x9: {  	[smem:$0x3FA5] =	sst s1  }
0xa: {  	[smem:$0x3FA6] =	sst s2  }
0xb: {  	[smem:$0x3FA7] =	sst s3  }
0xc: {  	[smem:$0x3FA8] =	sst s4  }
0xd: {  	[smem:$0x3FA9] =	sst s5  }
0xe: {  	[smem:$0x3FAA] =	sst s6  }
0xf: {  	[smem:$0x3FAB] =	sst s7  }
0x10: {  	[smem:$0x3FAC] =	sst s8  }
0x11: {  	[smem:$0x3FAD] =	sst s9;
	s0 =	simm.s32 @!p0 $0x0  }
0x12: {  	s1 =	sld [smem:$0x3F93];
	s0 =	simm.s32 @p0 $0x1  }
0x13: {  	[smem:$0x3FAE] =	sst s0;
	s0 =	simm.s32 @!p1 $0x0  }
0x14: {  	s2 =	sld [smem:$0x3F92];
	s0 =	simm.s32 @p1 $0x1  }
0x15: {  	[smem:$0x3FAF] =	sst s0;
	s0 =	simm.s32 @!p2 $0x0  }
0x16: {  	s3 =	sld [smem:$0x3FDB];
	s0 =	simm.s32 @p2 $0x1  }
0x17: {  	s4 =	simm.s32 $0x1BF5;
	[smem:$0x3FB1] =	sst s0  }
0x18: {  	s0 =	sld [smem:$0x3F94];
	_ =	swait.ge [sflag:s4], $0x0  }
0x19: {  	s7 =	sld [smem:$0x3F95]  }
0x1a: {  	s8 =	sadd.s32 $0xFFFFE003, lr  }
0x1b: {  	s9 =	sadd.s32 $0xFFFFFEF7, lr;
	s5 =	simm.s32 $0xFFFFFFFF;
	p2 =	slt.u32 s8, $0xFFFFF086  }
0x1c: {  	p1 =	slt.u32 s9, $0xF7A;
	s5 =	simm.s32 @!p2 $0x0  }
0x1d: {  	s5 =	simm.s32 @p1 $0x1;
	p0 =	seq.s32 s7, s2  }
0x1e: {  	s7 =	smul.u32 @!p0 $0xF7A, s2;
	p2 =	seq.s32 @!p0 s5, $0x0  }
0x1f: {  	s9 =	smul.u32 $0xF7A, s1;
	s8 =	simm.s32 @!p0 $0x1BF5;
	p2 =	por !p2, p0  }
0x20: {  	[sflag:s8] =	ssyncset.s32 @!p0 $0xFFFFF086;
	s6 =	sadd.s32 @!p0 s3, s7;
	s7 =	simm.s32 @!p0 $0x108  }
0x21: {  	s3 =	sadd.s32 s3, s9;
	s6 =	sadd.s32 @!p0 $0x88, s6;
	s7 =	simm.s32 @p2 $0x1082  }
0x22: {  	[simem:s7], [sflag:s8] =	dma.local @!p0 [hbm:s6], $0xF7A  }
0x23: {  	s9 =	sor.u32 $0xD0000000, s2;
	s6 =	simm.s32 $0x108;
	_ =	swait.ge @!p0 [sflag:s8], $0x0  }
0x24: {  	s3 =	sadd.s32 $0x88, s3;
	s6 =	simm.s32 @!p1 $0x1082;
	[sflag:s4] =	ssyncset.s32 $0xFFFFF086  }
0x25: {  	[simem:s6], [sflag:s4] =	dma.local [hbm:s3], $0xF7A  }
0x26: {  	[smem:$0x3F95] =	sst s1;
	(tag) =	ssettag s2;
	_ =	strace s9  }
0x27: {  	s1 =	sld [smem:$0x3FA5]  }
0x28: {  	s2 =	sld [smem:$0x3FA6]  }
0x29: {  	s4 =	sld [smem:$0x3FA8]  }
0x2a: {  	p0 =	seq.s32 s5, $0x0;
	s5 =	sld [smem:$0x3FA9]  }
0x2b: {  	s6 =	sld [smem:$0x3FAA]  }
0x2c: {  	s7 =	sld [smem:$0x3FAB]  }
0x2d: {  	s3 =	simm.s32 $0x108;
	s8 =	sld [smem:$0x3FAC]  }
0x2e: {  	s3 =	simm.s32 @!p0 $0x1082;
	s9 =	sld [smem:$0x3FAD]  }
0x2f: {  	lr =	sadd.s32 s0, s3;
	s0 =	sld [smem:$0x3FA4]  }
0x30: {  	s3 =	sld [smem:$0x3FA7]  }
0x31: {  	[smem:$0x3FB0] =	sst s10  }
0x32: {  	s10 =	sld [smem:$0x3FAE];
	_ =	sdelay $0x3  }
0x33: {  	p0 =	seq.s32 s10, $0x1;
	s10 =	sld [smem:$0x3FB0];
	_ =	sdelay $0x3  }
0x34: {  	[smem:$0x3FB0] =	sst s10  }
0x35: {  	s10 =	sld [smem:$0x3FAF];
	_ =	sdelay $0x3  }
0x36: {  	p1 =	seq.s32 s10, $0x1;
	s10 =	sld [smem:$0x3FB0];
	_ =	sdelay $0x3  }
0x37: {  	[smem:$0x3FB0] =	sst s10  }
0x38: {  	s10 =	sld [smem:$0x3FB1]  }
0x39: {  	_ = 	snop;
	(pc) =	sbr.ind lr, $3  }
0x3a: {  	_ = 	snop  }
0x3b: {  	_ = 	snop  }
0x3c: {  	p2 =	seq.s32 s10, $0x1;
	s10 =	sld [smem:$0x3FB0]  }
0x3d: {  	_ =	shalt  }
0x3e: {  	_ =	shalt  }
0x3f: {  	_ =	shalt  }
0x40: {  	_ =	shalt  }
0x41: {  	_ =	shalt  }
0x42: {  	_ =	shalt  }
0x43: {  	_ =	shalt  }
0x44: {  	_ =	shalt  }
0x45: {  	_ =	shalt  }
0x46: {  	_ =	shalt  }
0x47: {  	_ =	shalt  }
0x48: {  	_ =	shalt  }
0x49: {  	_ =	shalt  }
0x4a: {  	_ =	shalt  }
0x4b: {  	_ =	shalt  }
0x4c: {  	_ =	shalt  }
0x4d: {  	_ =	shalt  }
0x4e: {  	_ =	shalt  }
0x4f: {  	_ =	shalt  }
0x50: {  	_ =	shalt  }
0x51: {  	_ =	shalt  }
0x52: {  	_ =	shalt  }
0x53: {  	_ =	shalt  }
0x54: {  	_ =	shalt  }
0x55: {  	_ =	shalt  }
0x56: {  	_ =	shalt  }
0x57: {  	_ =	shalt  }
0x58: {  	_ =	shalt  }
0x59: {  	_ =	shalt  }
0x5a: {  	_ =	shalt  }
0x5b: {  	_ =	shalt  }
0x5c: {  	_ =	shalt  }
0x5d: {  	_ =	shalt  }
0x5e: {  	_ =	shalt  }
0x5f: {  	_ =	shalt  }
0x60: {  	_ =	shalt  }
0x61: {  	_ =	shalt  }
0x62: {  	_ =	shalt  }
0x63: {  	_ =	shalt  }
0x64: {  	_ =	shalt  }
0x65: {  	_ =	shalt  }
0x66: {  	_ =	shalt  }
0x67: {  	_ =	shalt  }
0x68: {  	_ =	shalt  }
0x69: {  	_ =	shalt  }
0x6a: {  	_ =	shalt  }
0x6b: {  	_ =	shalt  }
0x6c: {  	_ =	shalt  }
0x6d: {  	_ =	shalt  }
0x6e: {  	_ =	shalt  }
0x6f: {  	_ =	shalt  }
0x70: {  	_ =	shalt  }
0x71: {  	_ =	shalt  }
0x72: {  	_ =	shalt  }
0x73: {  	_ =	shalt  }
0x74: {  	_ =	shalt  }
0x75: {  	_ =	shalt  }
0x76: {  	_ =	shalt  }
0x77: {  	_ =	shalt  }
0x78: {  	_ =	shalt  }
0x79: {  	_ =	shalt  }
0x7a: {  	_ =	shalt  }
0x7b: {  	_ =	shalt  }
0x7c: {  	_ =	shalt  }
0x7d: {  	_ =	shalt  }
0x7e: {  	_ =	shalt  }
0x7f: {  	_ =	shalt  }
0x80: {  	_ =	shalt  }
0x81: {  	_ =	shalt  }
0x82: {  	_ =	shalt  }
0x83: {  	_ =	shalt  }
0x84: {  	_ =	shalt  }
0x85: {  	_ =	shalt  }
0x86: {  	_ =	shalt  }
0x87: {  	_ =	shalt  }
.Lfunc_end0:
.L_simem_size_0:
called_computation_lowered:
.L_overlay_start_0:
0x88: {  	s2 =	sld [smem:$0x3FD9]  }
0x89: {  	s3 =	sld [smem:$0x3FFE];
	_ =	sdelay $0x1  }
0x8a: {  	s1 =	srdreg.scid  }
0x8b: {  	s0 =	sand.u32 $0x1, s1  }
0x8c: {  	s16 =	sshll.u32 s0, $0xA;
	s2 =	sadd.s32 s3, s2  }
0x8d: {  	s2 =	sadd.s32 s2, s16  }
0x8e: {  	[smem:$0x3FBC] =	sst s2  }
0x8f: {  	_ = 	snop  }
0x90: {  	(tm) =	ssettm $0x1  }
0x91: {  	s17 =	sld [smem:$0x3FFB];
	_ =	sdelay $0x3  }
0x92: {  	_ =	strace s17  }
0x93: {  	s2 =	sld [smem:$0x3FFC];
	_ =	sdelay $0x3  }
0x94: {  	_ =	strace s2  }
0x95: {  	s2 =	sld [smem:$0x3FFD];
	_ =	sdelay $0x3  }
0x96: {  	_ =	strace s2  }
0x97: {  	_ =	strace $0x8FFFFFFF  }
0x98: {  	s18 =	sld [smem:$0x3FDB];
	_ =	sdelay $0x1  }
0x99: {  	s19 =	simm.s32 $_scs_section_size  }
0x9a: {  	s4 =	simm.s32 $_size__tile_overlayer_lowered;
	s5 =	simm.s32 $_tile_overlayer_lowered  }
0x9b: {  	s22 =	simm.s32 $0x1BFF;
	s21 =	sshll.u32 s5, $0x1;
	s2 =	sadd.s32 s19, s18  }
0x9c: {  	s6 =	simm.s32 $0x0;
	s20 =	sshll.u32 s4, $0x1;
	s4 =	sadd.s32 s21, s2  }
0x9d: {  	[timem:s6], [sflag:s22] =	dma.local [hbm:s4], s20  }
0x9e: {  	_ =	swait.ge [sflag:s22], s20  }
0x9f: {  	s3 =	ssub.s32 $0x0, s20;
	[sflag:s22] =	ssyncset.done $0x0  }
0xa0: {  	[sflag:s22] =	ssyncadd.s32 s3;
	_ =	sdelay $0x1  }
0xa1: {  	s23 =	simm.s32 $0x1B8B  }
0xa2: {  	_ =	swait.ge [sflag:s23], $0x1  }
0xa3: {  	[sflag:s23] =	ssyncset.done $0x0  }
0xa4: {  	s25 =	simm.s32 $0x1B8E;
	s24 =	sld [smem:$0x3FFE];
	[sflag:s23] =	ssyncadd.s32 $0xFFFFFFFF  }
0xa5: {  	s26 =	simm.s32 $execute0_lowered;
	[smem:$0x3FD2] =	sst s25  }
0xa6: {  	s4 =	sshll.u32 s26, $0x1;
	_ =	strace $0x80000046;
	[dreg:$0x1] =	wrdreg $0xFFFFFFFF  }
0xa7: {  	s28 =	simm.s32 $_size_execute0_lowered;
	s2 =	sadd.s32 s2, s4;
	[dreg:$0x0] =	wrdreg $0x0  }
0xa8: {  	s4 =	sshll.u32 s28, $0x1;
	[dreg:$0x2] =	wrdreg s2  }
0xa9: {  	[dreg:$0x3] =	wrdreg s4  }
0xaa: {  	[dreg:$0x4] =	wrdreg $0xC0  }
0xab: {  	_ =	task [dreg:s6], $0x5FFFF  }
0xac: {  	[dreg:$0x1] =	wrdreg $0xFFFFFFFF  }
0xad: {  	[dreg:$0x0] =	wrdreg $0x60  }
0xae: {  	[dreg:$0x2] =	wrdreg s24  }
0xaf: {  	[dreg:$0x3] =	wrdreg $0x90000  }
0xb0: {  	[dreg:$0x4] =	wrdreg $0x12CE00  }
0xb1: {  	[dreg:$0x5] =	wrdreg $0x9  }
0xb2: {  	_ =	task.clear_ibuf [dreg:s6], $0x6FFFF;
	_ =	strace $0x90000046  }
0xb3: {  	s29 =	simm.s32 $0x9;
	_ =	strace $0x80000048  }
0xb4: {  	_ =	swait.ge [sflag:s29], $0x1  }
0xb5: {  	[sflag:s29] =	ssyncadd.s32 $0xFFFFFFFF  }
0xb6: {  	_ =	strace $0x90000048  }
0xb7: {  	_ =	sfence  }
0xb8: {  	s30 =	sld [smem:$0x0];
	_ =	sdelay $0x2  }
0xb9: {  	s31 =	sshll.u32 s1, $0xD;
	s1 =	sshrl.u32 s1, $0x2  }
0xba: {  	s3 =	sand.u32 $0x4000, s31;
	s1 =	sadd.s32 s1, s30  }
0xbb: {  	s0 =	sor.u32 s3, s0;
	s1 =	sshll.u32 s1, $0x11  }
0xbc: {  	s0 =	sor.u32 s1, s0  }
0xbd: {  	s0 =	sadd.s32 $0x8F2B, s0  }
0xbe: {  	[sflag:s0] =	ssyncadd.remote.s32 $0x1  }
0xbf: {  	_ =	sfence.sel $0xFFFF  }
0xc0: {  	[dreg:$0x0] =	wrdreg $0xFFFFFFFF;
	(pc) =	sbr.abs _section_cstart, $3  }
0xc1: {  	[dreg:$0x1] =	wrdreg $0xFFFFFFFF  }
0xc2: {  	_ =	task.clear_ibuf [dreg:s6], $0x2FFFF;
	_ =	strace $0x9FFFFFFF  }
0xc3: {  	(tm) =	ssettm $0x7FFFFFFF  }
tec
execute0_lowered:
.L_overlay_start_1:
0x0: {  	(tag) =	ssettag $0x1  }
0x1: {  	s0 =	rddreg [dreg:$0x0]  }
0x2: {  	s2 =	rddreg [dreg:$0x1]  }
0x3: {  	s3 =	rddreg [dreg:$0x2]  }
0x4: {  	s4 =	srdreg.scid;
	s1 =	stileid.u32  }
0x5: {  	s17 =	simm.s32 $0x3;
	s28 =	simm.s32 $0x12C60;
	s29 =	simm.s32 $0x2  }
0x6: {  	s30 =	simm.s32 $0x4F00;
	s31 =	simm.s32 $0x4F80;
	s6 =	sand.u32 $0x1, s4  }
0x7: {  	s5 =	sshll.u32 s1, $0x1;
	s4 =	simm.s32 $0x0;
	s11 =	smul.u32 $0x9E00, s1  }
0x8: {  	s22 =	sadd.s32 $0x3D200, s0;
	s14 =	sadd.s32 $0x3E200, s0;
	p0 =	sne.s32 s1, $0xF  }
0x9: {  	p3 =	seq.s32 s1, $0xF;
	s5 =	sor.u32 s6, s5;
	s21 =	smul.u32 $0x4E2, s6  }
0xa: {  	[smem:$0x7FF] =	sst s4;
	s23 =	ssub.s32 $0x2, s6;
	s6 =	smul.u32 $0x9C400, s6  }
0xb: {  	p2 =	sne.s32 @p0 s1, $0x0;
	s7 =	smul.u32 $0x500, s5;
	_ =	strace $0x80000047  }
0xc: {  	s5 =	sadd.s32 $0x1E00, s0;
	s8 =	sshrl.u32 s11, $0x3;
	[dreg:$0x4] =	wrdreg s22  }
0xd: {  	s24 =	sshrl.u32 s23, $0x1;
	p1 =	por p2, !p0;
	p2 =	por !p2, !p0  }
0xe: {  	s10 =	sadd.s32 s8, s0;
	s15 =	sadd.s32 s21, s0;
	s16 =	ssub.s32 s23, s24  }
0xf: {  	s12 =	sadd.s32 s11, s6;
	s6 =	sshrl.u32 s6, $0x3;
	s21 =	sshrl.u32 @!p1 s3, $0x3  }
0x10: {  	s23 =	simm.s32 $0x80;
	s24 =	simm.s32 $0x5000;
	s9 =	sadd.s32 s7, s0  }
0x11: {  	s10 =	sadd.s32 $0x29800, s10;
	s13 =	sshrl.u32 s12, $0x3;
	s12 =	sadd.s32 $0x3C040, s0  }
0x12: {  	s26 =	sadd.s32 s14, s6;
	s15 =	sadd.s32 $0x3D800, s15;
	s16 =	smax.u32 s16, $0x1  }
0x13: {  	s0 =	sshll.u32 @p0 s1, $0x6;
	s7 =	stileid.u32;
	s25 =	sadd.s32 $0x1F800, s9  }
0x14: {  	s8 =	sadd.s32 $0x15800, s9;
	s9 =	sadd.s32 s11, s2;
	s11 =	sadd.s32 $0x94200, s2  }
0x15: {  	s13 =	sadd.s32 s14, s13;
	s14 =	sadd.s32 $0x12840, s26;
	s19 =	sor.u32 @p0 $0x1C03, s0  }
0x16: {  	s26 =	simm.s32 $0x1;
	s0 =	simm.s32 $0x0;
	[dreg:$0x5] =	wrdreg s25  }
0x17: {  	v0 =	vimm.f32 $1.000000000e+00;
	s20 =	sshrl.u32 @p0 s9, $0x3;
	s22 =	sshrl.u32 @!p0 s11, $0x3;
	s25 =	simm.s32 $0x7000  }
.LBB2_1:
0x18: {  	s1 =	rddreg [dreg:$0x5]  }
0x19: {  	[tilespmem:s4], [sflag:$0x3] =	stream.linear.gather [hbm4b:s1+s4], $0x2800, $0x38;
	[tilespmem:$0x12F58] =	vst v63  }
0x1a: {  	_ =	swait.ge [sflag:s17], $0x2800  }
0x1b: {  	[sflag:s17] =	ssyncset.done $0x0  }
0x1c: {  	s6 =	simm.s32 $0x2800;
	[sflag:s17] =	ssyncadd.s32 $0xFFFFD800  }
0x1d: {  	[tilespmem:s6], [sflag:$0x3] =	stream.linear.gather [hbm4b:s8+s4], $0x2800, $0x38;
	[tilespmem:$0x12F58] =	vst v63  }
0x1e: {  	_ =	swait.ge [sflag:s17], $0x2800  }
0x1f: {  	[sflag:s17] =	ssyncset.done $0x0  }
0x20: {  	s6 =	simm.s32 @p0 $0x3;
	[sflag:s17] =	ssyncadd.s32 $0xFFFFD800  }
0x21: {  	[spmem:s20], [sflag:s19] =	dma.local @p0 [hbm:s10], $0x13C0  }
0x22: {  	_ =	swait.ge @p0 [sflag:s6], $0x13C0  }
0x23: {  	[sflag:s6] =	ssyncset.done @p0 $0x0  }
0x24: {  	s1 =	rddreg [dreg:$0x4];
	[sflag:s6] =	ssyncadd.s32 @p0 $0xFFFFEC40;
	s6 =	simm.s32 @!p1 $0x1C03  }
0x25: {  	[spmem:s21], [sflag:s6] =	dma.local @!p1 [hbm:s1], $0x4E3  }
0x26: {  	s6 =	simm.s32 @!p1 $0x3  }
0x27: {  	_ =	swait.ge @!p1 [sflag:s6], $0x4E3  }
0x28: {  	[sflag:s6] =	ssyncset.done @!p1 $0x0  }
0x29: {  	[sflag:s6] =	ssyncadd.s32 @!p1 $0xFFFFFB1D;
	s6 =	simm.s32 @!p0 $0x1FC3  }
0x2a: {  	[spmem:s22], [sflag:s6] =	dma.local @!p0 [hbm:s12], $0x1080  }
0x2b: {  	s6 =	simm.s32 @!p0 $0x3  }
0x2c: {  	_ =	swait.ge @!p0 [sflag:s6], $0x1080  }
0x2d: {  	[sflag:s6] =	ssyncset.done @!p0 $0x0  }
0x2e: {  	[sflag:s6] =	ssyncadd.s32 @!p0 $0xFFFFEF80  }
0x2f: {  	[tilespmem:$0x12C60] =	vst v0  }
0x30: {  	[tilespmem:$0x12C70] =	vst v0  }
0x31: {  	[tilespmem:$0x12C80] =	vst v0  }
0x32: {  	[tilespmem:$0x12C90] =	vst v0  }
0x33: {  	[tilespmem:$0x12CA0] =	vst v0  }
0x34: {  	[tilespmem:$0x12CB0] =	vst v0  }
0x35: {  	[tilespmem:$0x12CC0] =	vst v0  }
0x36: {  	[tilespmem:$0x12CD0] =	vst v0  }
0x37: {  	[bflag:$0x0] =	sbarrier.arrive $0xFFFF  }
0x38: {  	[tilespmem:s24], [sflag:$0x1] =	stream.indirect.gather [hbm4b:s5+s23], $0x40, s4, s23, $0xb8;
	[tilespmem:$0x12F58] =	vst v63  }
0x39: {  	_ = 	snop  }
0x3a: {  	[tilespmem:s25], [sflag:$0x2] =	stream.indirect.gather [hbm4b:s5+s23], $0x40, s23, s23, $0xb8;
	[tilespmem:$0x12F58] =	vst v63  }
0x3b: {  	_ =	swait.ge [sflag:s26], $0x2000  }
0x3c: {  	[sflag:s26] =	ssyncset.done $0x0  }
0x3d: {  	s18 =	simm.s32 $0x2800;
	[sflag:s26] =	ssyncadd.s32 $0xFFFFE000  }
0x3e: {  	[spmem:s2] =	stream.indirect.scatter.add.f32 [tilespmem:s24], [sflag:$0x3], $0x40, s18, s23, $0xb8;
	[tilespmem:$0x12F58] =	vst v63  }
0x3f: {  	_ =	swait.ge [sflag:s17], $0x2000  }
0x40: {  	[sflag:s17] =	ssyncset.done $0x0  }
0x41: {  	[sflag:s17] =	ssyncadd.s32 $0xFFFFE000  }
0x42: {  	[spmem:s3] =	stream.indirect.scatter.add.f32 [tilespmem:s28], [sflag:$0x3], $0x1, s18, s23, $0xb8;
	[tilespmem:$0x12F58] =	vst v63  }
0x43: {  	_ =	swait.ge [sflag:s17], $0x80  }
0x44: {  	[sflag:s17] =	ssyncset.done $0x0  }
0x45: {  	s1 =	simm.s32 $0x100;
	[sflag:s17] =	ssyncadd.s32 $0xFFFFFF80  }
0x46: {  	[tilespmem:s24], [sflag:$0x1] =	stream.indirect.gather [hbm4b:s5+s23], $0x40, s1, s23, $0xb8;
	[tilespmem:$0x12F58] =	vst v63  }
0x47: {  	_ =	swait.ge [sflag:s29], $0x2000  }
0x48: {  	[sflag:s29] =	ssyncset.done $0x0  }
0x49: {  	s18 =	simm.s32 $0x2880;
	[sflag:s29] =	ssyncadd.s32 $0xFFFFE000  }
0x4a: {  	[spmem:s2] =	stream.indirect.scatter.add.f32 [tilespmem:s25], [sflag:$0x3], $0x40, s18, s23, $0xb8;
	[tilespmem:$0x12F58] =	vst v63  }
0x4b: {  	_ =	swait.ge [sflag:s17], $0x2000  }
0x4c: {  	[sflag:s17] =	ssyncset.done $0x0  }
0x4d: {  	p5 =	por @p0 $0x0, $0x0;
	p4 =	por @!p1 $0x1, $0x1;
	[sflag:s17] =	ssyncadd.s32 $0xFFFFE000  }
0x4e: {  	[spmem:s3] =	stream.indirect.scatter.add.f32 [tilespmem:s28], [sflag:$0x3], $0x1, s18, s23, $0xb8;
	[tilespmem:$0x12F58] =	vst v63  }
0x4f: {  	p4 =	por @!p2 p5, p5;
	p5 =	por @!p0 $0x0, $0x0;
	_ =	swait.ge [sflag:s17], $0x80  }
0x50: {  	p4 =	por @!p0 p5, p5;
	[sflag:s17] =	ssyncset.done $0x0  }
0x51: {  	s6 =	simm.s32 $0x180;
	s18 =	simm.s32 $0x400;
	[sflag:s17] =	ssyncadd.s32 $0xFFFFFF80  }
.LBB2_2:
0x52: {  	[tilespmem:s25], [sflag:$0x2] =	stream.indirect.gather [hbm4b:s5+s23], $0x40, s6, s23, $0xb8;
	[tilespmem:$0x12F58] =	vst v63  }
0x53: {  	s6 =	smov.u32 s18  }
0x54: {  	p5 =	sne.s32 s18, $0x9800;
	s18 =	sadd.s32 $0x400, s18;
	_ =	swait.ge [sflag:s26], $0x2000  }
0x55: {  	s6 =	sshra.s32 s6, $0x2;
	[sflag:s26] =	ssyncset.done $0x0  }
0x56: {  	s1 =	sadd.s32 $0x2800, s6;
	[sflag:s26] =	ssyncadd.s32 $0xFFFFE000  }
0x57: {  	[spmem:s2] =	stream.indirect.scatter.add.f32 [tilespmem:s24], [sflag:$0x3], $0x40, s1, s23, $0xb8;
	[tilespmem:$0x12F58] =	vst v63  }
0x58: {  	_ =	swait.ge [sflag:s17], $0x2000  }
0x59: {  	[sflag:s17] =	ssyncset.done $0x0  }
0x5a: {  	[sflag:s17] =	ssyncadd.s32 $0xFFFFE000  }
0x5b: {  	[spmem:s3] =	stream.indirect.scatter.add.f32 [tilespmem:s28], [sflag:$0x3], $0x1, s1, s23, $0xb8;
	[tilespmem:$0x12F58] =	vst v63  }
0x5c: {  	_ =	swait.ge [sflag:s17], $0x80  }
0x5d: {  	[sflag:s17] =	ssyncset.done $0x0  }
0x5e: {  	s1 =	sadd.s32 $0x100, s6;
	[sflag:s17] =	ssyncadd.s32 $0xFFFFFF80  }
0x5f: {  	[tilespmem:s24], [sflag:$0x1] =	stream.indirect.gather [hbm4b:s5+s23], $0x40, s1, s23, $0xb8;
	[tilespmem:$0x12F58] =	vst v63  }
0x60: {  	_ =	swait.ge [sflag:s29], $0x2000  }
0x61: {  	[sflag:s29] =	ssyncset.done $0x0  }
0x62: {  	s1 =	sadd.s32 $0x2880, s6;
	[sflag:s29] =	ssyncadd.s32 $0xFFFFE000  }
0x63: {  	[spmem:s2] =	stream.indirect.scatter.add.f32 [tilespmem:s25], [sflag:$0x3], $0x40, s1, s23, $0xb8;
	[tilespmem:$0x12F58] =	vst v63  }
0x64: {  	_ =	swait.ge [sflag:s17], $0x2000  }
0x65: {  	[sflag:s17] =	ssyncset.done $0x0  }
.Ltmp0:
0x66: {  	[sflag:s17] =	ssyncadd.s32 $0xFFFFE000;
	(pc) =	sbr.rel @p5 .LBB2_2-.Ltmp0, $4  }
0x67: {  	[spmem:s3] =	stream.indirect.scatter.add.f32 [tilespmem:s28], [sflag:$0x3], $0x1, s1, s23, $0xb8;
	[tilespmem:$0x12F58] =	vst v63  }
0x68: {  	_ =	swait.ge [sflag:s17], $0x80  }
0x69: {  	[sflag:s17] =	ssyncset.done $0x0  }
0x6a: {  	s6 =	sadd.s32 $0x180, s6;
	[sflag:s17] =	ssyncadd.s32 $0xFFFFFF80  }
0x6b: {  	[tilespmem:s25], [sflag:$0x2] =	stream.indirect.gather [hbm4b:s5+s23], $0x40, s6, s23, $0xb8;
	[tilespmem:$0x12F58] =	vst v63  }
0x6c: {  	_ =	swait.ge [sflag:s26], $0x2000  }
0x6d: {  	[sflag:s26] =	ssyncset.done $0x0  }
0x6e: {  	[sflag:s26] =	ssyncadd.s32 $0xFFFFE000  }
0x6f: {  	[spmem:s2] =	stream.indirect.scatter.add.f32 [tilespmem:s24], [sflag:$0x3], $0x40, s30, s23, $0xb8;
	[tilespmem:$0x12F58] =	vst v63  }
0x70: {  	_ =	swait.ge [sflag:s17], $0x2000  }
0x71: {  	[sflag:s17] =	ssyncset.done $0x0  }
0x72: {  	[sflag:s17] =	ssyncadd.s32 $0xFFFFE000  }
0x73: {  	[spmem:s3] =	stream.indirect.scatter.add.f32 [tilespmem:s28], [sflag:$0x3], $0x1, s30, s23, $0xb8;
	[tilespmem:$0x12F58] =	vst v63  }
0x74: {  	_ =	swait.ge [sflag:s17], $0x80  }
0x75: {  	[sflag:s17] =	ssyncset.done $0x0  }
0x76: {  	[sflag:s17] =	ssyncadd.s32 $0xFFFFFF80  }
0x77: {  	_ =	swait.ge [sflag:s29], $0x2000  }
0x78: {  	[sflag:s29] =	ssyncset.done $0x0  }
0x79: {  	[sflag:s29] =	ssyncadd.s32 $0xFFFFE000  }
0x7a: {  	[spmem:s2] =	stream.indirect.scatter.add.f32 [tilespmem:s25], [sflag:$0x3], $0x40, s31, s23, $0xb8;
	[tilespmem:$0x12F58] =	vst v63  }
0x7b: {  	_ =	swait.ge [sflag:s17], $0x2000  }
0x7c: {  	[sflag:s17] =	ssyncset.done $0x0  }
0x7d: {  	[sflag:s17] =	ssyncadd.s32 $0xFFFFE000  }
0x7e: {  	[spmem:s3] =	stream.indirect.scatter.add.f32 [tilespmem:s28], [sflag:$0x3], $0x1, s31, s23, $0xb8;
	[tilespmem:$0x12F58] =	vst v63  }
0x7f: {  	_ =	swait.ge [sflag:s17], $0x80  }
0x80: {  	[sflag:s17] =	ssyncset.done $0x0  }
0x81: {  	[sflag:s17] =	ssyncadd.s32 $0xFFFFFF80  }
0x82: {  	s1 =	sshrl.u32 @p3 s11, $0x3;
	s6 =	simm.s32 @p3 $0x1FC3;
	[bflag:$0x0] =	sbarrier.arrive $0xFFFF  }
0x83: {  	[hbm:s14], [sflag:s6] =	dma.local @p3 [spmem:s1], $0x1040  }
0x84: {  	s1 =	simm.s32 @p3 $0x3  }
0x85: {  	_ =	swait.ge @p3 [sflag:s1], $0x1040  }
0x86: {  	s6 =	sshll.u32 @!p3 s7, $0x6;
	[sflag:s1] =	ssyncset.done @p3 $0x0  }
0x87: {  	[sflag:s1] =	ssyncadd.s32 @p3 $0xFFFFEFC0;
	s1 =	sor.u32 @!p3 $0x1C03, s6;
	s6 =	sshrl.u32 @!p3 s9, $0x3  }
0x88: {  	[hbm:s13], [sflag:s1] =	dma.local @!p3 [spmem:s6], $0x13C0  }
0x89: {  	s1 =	simm.s32 @!p3 $0x3  }
0x8a: {  	s0 =	sadd.s32 $0x1, s0;
	_ =	swait.ge @!p3 [sflag:s1], $0x13C0  }
0x8b: {  	p5 =	sne.s32 s0, s16;
	s6 =	sshll.u32 @p4 s7, $0x6;
	[sflag:s1] =	ssyncset.done @!p3 $0x0  }
0x8c: {  	[sflag:s1] =	ssyncadd.s32 @!p3 $0xFFFFEC40;
	s1 =	sor.u32 @p4 $0x1C03, s6;
	s6 =	sshrl.u32 @p4 s3, $0x3  }
0x8d: {  	[hbm:s15], [sflag:s1] =	dma.local @p4 [spmem:s6], $0x4E2  }
.Ltmp1:
0x8e: {  	_ = 	snop;
	(pc) =	sbr.rel @p5 .LBB2_1-.Ltmp1, $4  }
0x8f: {  	s1 =	simm.s32 @p4 $0x3  }
0x90: {  	_ =	swait.ge @p4 [sflag:s1], $0x4E2  }
0x91: {  	[sflag:s1] =	ssyncset.done @p4 $0x0  }
0x92: {  	s18 =	stileid.u32;
	[sflag:s1] =	ssyncadd.s32 @p4 $0xFFFFFB1E  }
0x93: {  	_ =	sfence.sel $0x180000  }
0x94: {  	[bflag:$0x0] =	sbarrier.arrive $0xFFFF  }
0x95: {  	_ =	strace $0x90000047  }
0x96: {  	[bflag:$0x2] =	sbarrier.arrive $0xFFFF  }
0x97: {  	p0 =	sne.s32 s18, $0x0;
	s0 =	rddreg [dreg:$0x3]  }
0x98: {  	s0 =	sadd.s32 @!p0 $0x100000, s0  }
0x99: {  	[sflag:s0] =	ssyncadd.tile.s32 @!p0 $0x1;
	_ =	shalt  }
.Lfunc_end2:
_tile_overlayer_lowered:
.L_overlay_start_2:
0x9a: {  	(tag) =	ssettag $0x2  }
0x9b: {  	s0 =	rddreg [dreg:$0x0];
	s2 =	stileid.u32  }
0x9c: {  	s1 =	rddreg [dreg:$0x1];
	p0 =	sne.s32 s2, $0x0  }
0x9d: {  	s3 =	rddreg [dreg:$0x2];
	[bflag:$0x3] =	sbarrier.arrive $0xFFFF;
	s2 =	simm.s32 @!p0 $0x1C03  }
0x9e: {  	[timem:s3], [sflag:s2] =	dma.local @!p0 [hbm:s0], s1  }
0x9f: {  	s0 =	simm.s32 @!p0 $0x3  }
0xa0: {  	_ =	swait.ge @!p0 [sflag:s0], s1  }
0xa1: {  	s1 =	ssub.s32 @!p0 $0x0, s1;
	[sflag:s0] =	ssyncset.done @!p0 $0x0  }
0xa2: {  	[sflag:s0] =	ssyncadd.s32 @!p0 s1  }
0xa3: {  	[bflag:$0x3] =	sbarrier.arrive $0xFFFF  }
0xa4: {  	_ =	shalt  }

</sc_bundles>
